<compile_context>
chip_gen: v7x
topology: tpu7x:2x2x1
jax: 0.10.2.dev20260603
libtpu: 0.0.44.dev20260713+nightly
codegen_flags: <defaults>
</compile_context>

<pallas_src>
import functools

import jax
import jax.numpy as jnp
from jax import lax
from jax.experimental import pallas as pl
from jax.experimental.pallas import tpu as pltpu
from jax.experimental.pallas import tpu_sc as plsc

CHUNK = 128
NC, NS = 2, 16
SEG_A = 624
CPAD = 10240
CSL = CPAD // NS


def _sc_accumulate(p2d, idx3, zrows, zcnt, ones, num_segments):
    N, D = p2d.shape
    n_chunks = N // CHUNK
    NW = NC * NS
    base_n = n_chunks // NW
    rem = n_chunks - base_n * NW
    tail = SEG_A - (SEG_A // CHUNK) * CHUNK
    seg_rem0 = num_segments - NS * SEG_A

    mesh = plsc.VectorSubcoreMesh(core_axis_name="c", subcore_axis_name="s")

    @functools.partial(
        pl.kernel,
        out_type=(
            jax.ShapeDtypeStruct((NC, num_segments, D), jnp.float32),
            jax.ShapeDtypeStruct((NC, CPAD), jnp.float32),
        ),
        mesh=mesh,
        scratch_types=[
            pltpu.VMEM((CHUNK, D), jnp.float32),
            pltpu.VMEM((1, CHUNK), jnp.int32),
            pltpu.VMEM((CHUNK,), jnp.float32),
            pltpu.VMEM((CSL,), jnp.float32),
            pltpu.VMEM_SHARED((num_segments, D), jnp.float32),
            pltpu.VMEM_SHARED((CPAD,), jnp.float32),
        ],
    )
    def k(p_hbm, i_hbm, zr_hbm, zc_hbm, on_hbm, sums_out, cnts_out,
          rows_v, idx_v, ones_v, cnt_v, sums_sh, cnts_sh):
        c = lax.axis_index("c")
        s = lax.axis_index("s")
        w = c * NS + s

        pltpu.sync_copy(zr_hbm, rows_v)
        pltpu.sync_copy(on_hbm, ones_v)

        row0 = s * SEG_A
        for j in range(SEG_A // CHUNK):
            pltpu.sync_copy(rows_v, sums_sh.at[pl.ds(row0 + j * CHUNK, CHUNK)])
        pltpu.sync_copy(rows_v.at[pl.ds(0, tail)],
                        sums_sh.at[pl.ds(row0 + (SEG_A // CHUNK) * CHUNK, tail)])

        @pl.when(s == 0)
        def _zero_rem():
            pltpu.sync_copy(rows_v.at[pl.ds(0, seg_rem0)],
                            sums_sh.at[pl.ds(NS * SEG_A, seg_rem0)])

        pltpu.sync_copy(zc_hbm, cnt_v)
        pltpu.sync_copy(cnt_v, cnts_sh.at[pl.ds(s * CSL, CSL)])

        plsc.subcore_barrier()

        start = w * base_n + jnp.minimum(w, rem)
        n_w = base_n + jnp.where(w < rem, 1, 0)

        def body(i, carry):
            ch = start + i
            pltpu.sync_copy(p_hbm.at[pl.ds(ch * CHUNK, CHUNK)], rows_v)
            pltpu.sync_copy(i_hbm.at[ch], idx_v)
            pltpu.sync_copy(rows_v, sums_sh.at[idx_v.at[0]], add=True)
            pltpu.sync_copy(ones_v, cnts_sh.at[idx_v.at[0]], add=True)
            return carry

        lax.fori_loop(0, n_w, body, 0)

        plsc.subcore_barrier()

        for j in range(SEG_A // CHUNK + 1):
            nrows = CHUNK if j < SEG_A // CHUNK else tail
            pltpu.sync_copy(sums_sh.at[pl.ds(row0 + j * CHUNK, nrows)],
                            rows_v.at[pl.ds(0, nrows)])
            pltpu.sync_copy(rows_v.at[pl.ds(0, nrows)],
                            sums_out.at[c, pl.ds(row0 + j * CHUNK, nrows)])

        @pl.when(s == 0)
        def _write_rem():
            pltpu.sync_copy(sums_sh.at[pl.ds(NS * SEG_A, seg_rem0)],
                            rows_v.at[pl.ds(0, seg_rem0)])
            pltpu.sync_copy(rows_v.at[pl.ds(0, seg_rem0)],
                            sums_out.at[c, pl.ds(NS * SEG_A, seg_rem0)])

        pltpu.sync_copy(cnts_sh.at[pl.ds(s * CSL, CSL)], cnt_v)
        pltpu.sync_copy(cnt_v, cnts_out.at[c, pl.ds(s * CSL, CSL)])

    return k(p2d, idx3, zrows, zcnt, ones)


def _combine(sums, cnts):
    _, S, D = sums.shape
    BS = 1000

    def body(s_ref, c_ref, o_ref):
        tot = s_ref[0] + s_ref[1]
        cnt = c_ref[0, :, 0] + c_ref[1, :, 0]
        o_ref[...] = tot / jnp.maximum(cnt, 1.0)[:, None]

    return pl.pallas_call(
        body,
        grid=(S // BS,),
        in_specs=[
            pl.BlockSpec((2, BS, D), lambda i: (0, i, 0)),
            pl.BlockSpec((2, BS, 1), lambda i: (0, i, 0)),
        ],
        out_specs=pl.BlockSpec((BS, D), lambda i: (i, 0)),
        out_shape=jax.ShapeDtypeStruct((S, D), jnp.float32),
    )(sums, cnts)


def kernel(prop, index):
    B, N, D = prop.shape
    num_segments = 10000
    p2d = prop.reshape(N, D)
    idx3 = index.reshape(N // CHUNK, 1, CHUNK)
    zrows = jnp.zeros((CHUNK, D), jnp.float32)
    zcnt = jnp.zeros((CSL,), jnp.float32)
    ones = jnp.ones((CHUNK,), jnp.float32)
    sums, cnts = _sc_accumulate(p2d, idx3, zrows, zcnt, ones, num_segments)
    out = _combine(sums, cnts[:, :num_segments].reshape(NC, num_segments, 1))
    return out.reshape(B, num_segments, D)

# --- scband reference (transcript-rebuilt; emitter-appended) ---
"""Pipeline reference for scband-linear-with-index-33243046871795 (READ-ONLY COPY).

The authoritative reference and input builder live on the scoring server;
editing this copy changes nothing except your own understanding.
"""

import jax, jax.numpy as jnp
import numpy as np

NUM_SEGMENTS = 10000
N = 320000
D = 128

def setup_inputs(seed: int = 0) -> dict:
    key = jax.random.key(seed)
    k1, k2 = jax.random.split(key)
    prop = jax.random.normal(k1, (1, N, D), dtype=jnp.float32)
    index = jnp.sort(jax.random.randint(k2, (N,), 0, NUM_SEGMENTS, dtype=jnp.int32))
    return {"prop": prop, "index": index}

def reference(prop, index):
    # Faithful translation of LinearWithIndex.call with mode='mean'
    idx = jnp.reshape(index, (-1,))
    p = jnp.transpose(prop, (1, 0, 2))  # [N, B, D]
    sums = jax.ops.segment_sum(p, idx, num_segments=NUM_SEGMENTS)
    counts = jax.ops.segment_sum(jnp.ones((idx.shape[0],), dtype=p.dtype), idx, num_segments=NUM_SEGMENTS)
    out = sums / jnp.maximum(counts, 1.0)[:, None, None]  # segment_mean
    out = jnp.transpose(out, (1, 0, 2))  # [B, NUM_SEGMENTS, D]
    return out

if __name__ == "__main__":
    import jax
    _d = setup_inputs()
    print(jax.jit(kernel)(*tuple(_d.values())))

</pallas_src>

<mosaic_0001>
#map = affine_map<(d0, d1) -> (0, 0)>
#map1 = affine_map<(d0, d1) -> (0, 0, 0)>
#map2 = affine_map<(d0, d1) -> (0)>
module attributes {stable_mosaic.version = 14 : i64} {
  func.func @k(%arg0: i32, %arg1: i32, %arg2: memref<320000x128xf32, #tpu.memory_space<hbm>>, %arg3: memref<2500x1x128xi32, #tpu.memory_space<hbm>>, %arg4: memref<128x128xf32, #tpu.memory_space<hbm>>, %arg5: memref<640xf32, #tpu.memory_space<hbm>>, %arg6: memref<128xf32, #tpu.memory_space<hbm>>, %arg7: memref<2x10000x128xf32, #tpu.memory_space<hbm>>, %arg8: memref<2x10240xf32, #tpu.memory_space<hbm>>, %arg9: memref<128x128xf32, #tpu.memory_space<vmem>>, %arg10: memref<1x128xi32, #tpu.memory_space<vmem>>, %arg11: memref<128xf32, #tpu.memory_space<vmem>>, %arg12: memref<640xf32, #tpu.memory_space<vmem>>, %arg13: memref<10000x128xf32, #tpu.memory_space<vmem_shared>>, %arg14: memref<10240xf32, #tpu.memory_space<vmem_shared>>) attributes {dimension_semantics = [#tpu.dimension_semantics<core_parallel>, #tpu.dimension_semantics<subcore_parallel>], iteration_bounds = array<i64: 2, 16>, scalar_prefetch = 0 : i64, scratch_operands = 6 : i64, tpu.core_type = #tpu.core_type<sc_vector_subcore>, window_params = [{transform_indices = #map}, {transform_indices = #map1}, {transform_indices = #map}, {transform_indices = #map2}, {transform_indices = #map2}, {transform_indices = #map1}, {transform_indices = #map}]} {
    %mul3A = arith.constant 16 : i32
    %mul3A_0 = arith.muli %arg0, %mul3A : i32
    %add3A = arith.addi %mul3A_0, %arg1 : i32
    "tpu.region"() ({
      %run_scoped3A = tpu.sem_alloc : memref<!tpu.dma_semaphore, #tpu.memory_space<semaphore_mem>>
      tpu.enqueue_dma source(%arg4 : memref<128x128xf32, #tpu.memory_space<hbm>>) target(%arg9 : memref<128x128xf32, #tpu.memory_space<vmem>>) target_semaphore(%run_scoped3A : memref<!tpu.dma_semaphore, #tpu.memory_space<semaphore_mem>>)
      tpu.wait_dma2 semaphore(%run_scoped3A : memref<!tpu.dma_semaphore, #tpu.memory_space<semaphore_mem>>) src(%arg4 : memref<128x128xf32, #tpu.memory_space<hbm>>) dst(%arg9 : memref<128x128xf32, #tpu.memory_space<vmem>>)
      tpu.yield
    }) : () -> ()
    "tpu.region"() ({
      %run_scoped3A = tpu.sem_alloc : memref<!tpu.dma_semaphore, #tpu.memory_space<semaphore_mem>>
      tpu.enqueue_dma source(%arg6 : memref<128xf32, #tpu.memory_space<hbm>>) target(%arg11 : memref<128xf32, #tpu.memory_space<vmem>>) target_semaphore(%run_scoped3A : memref<!tpu.dma_semaphore, #tpu.memory_space<semaphore_mem>>)
      tpu.wait_dma2 semaphore(%run_scoped3A : memref<!tpu.dma_semaphore, #tpu.memory_space<semaphore_mem>>) src(%arg6 : memref<128xf32, #tpu.memory_space<hbm>>) dst(%arg11 : memref<128xf32, #tpu.memory_space<vmem>>)
      tpu.yield
    }) : () -> ()
    %mul3A_1 = arith.constant 624 : i32
    %mul3A_2 = arith.muli %arg1, %mul3A_1 : i32
    %add3A_3 = arith.constant 0 : i32
    %add3A_4 = arith.addi %mul3A_2, %add3A_3 : i32
    "tpu.region"() ({
      %run_scoped3A = tpu.sem_alloc : memref<!tpu.dma_semaphore, #tpu.memory_space<semaphore_mem>>
      %dma_start3A = arith.constant 0 : i32
      %dma_start3A_64 = tpu.memref_slice %arg13[%add3A_4, %dma_start3A] : memref<10000x128xf32, #tpu.memory_space<vmem_shared>> -> memref<128x128xf32, #tpu.memory_space<vmem_shared>>
      %dma_start3A_65 = arith.constant 0 : i32
      %dma_start3A_66 = tpu.memref_slice %arg13[%add3A_4, %dma_start3A_65] : memref<10000x128xf32, #tpu.memory_space<vmem_shared>> -> memref<128x128xf32, #tpu.memory_space<vmem_shared>>
      tpu.enqueue_dma source(%arg9 : memref<128x128xf32, #tpu.memory_space<vmem>>) target(%dma_start3A_66 : memref<128x128xf32, #tpu.memory_space<vmem_shared>>) target_semaphore(%run_scoped3A : memref<!tpu.dma_semaphore, #tpu.memory_space<semaphore_mem>>)
      %dma_wait3A = arith.constant 0 : i32
      %dma_wait3A_67 = tpu.memref_slice %arg13[%add3A_4, %dma_wait3A] : memref<10000x128xf32, #tpu.memory_space<vmem_shared>> -> memref<128x128xf32, #tpu.memory_space<vmem_shared>>
      %dma_wait3A_68 = arith.constant 0 : i32
      %dma_wait3A_69 = tpu.memref_slice %arg13[%add3A_4, %dma_wait3A_68] : memref<10000x128xf32, #tpu.memory_space<vmem_shared>> -> memref<128x128xf32, #tpu.memory_space<vmem_shared>>
      tpu.wait_dma2 semaphore(%run_scoped3A : memref<!tpu.dma_semaphore, #tpu.memory_space<semaphore_mem>>) src(%arg9 : memref<128x128xf32, #tpu.memory_space<vmem>>) dst(%dma_wait3A_69 : memref<128x128xf32, #tpu.memory_space<vmem_shared>>)
      tpu.yield
    }) : () -> ()
    %add3A_5 = arith.constant 128 : i32
    %add3A_6 = arith.addi %mul3A_2, %add3A_5 : i32
    "tpu.region"() ({
      %run_scoped3A = tpu.sem_alloc : memref<!tpu.dma_semaphore, #tpu.memory_space<semaphore_mem>>
      %dma_start3A = arith.constant 0 : i32
      %dma_start3A_64 = tpu.memref_slice %arg13[%add3A_6, %dma_start3A] : memref<10000x128xf32, #tpu.memory_space<vmem_shared>> -> memref<128x128xf32, #tpu.memory_space<vmem_shared>>
      %dma_start3A_65 = arith.constant 0 : i32
      %dma_start3A_66 = tpu.memref_slice %arg13[%add3A_6, %dma_start3A_65] : memref<10000x128xf32, #tpu.memory_space<vmem_shared>> -> memref<128x128xf32, #tpu.memory_space<vmem_shared>>
      tpu.enqueue_dma source(%arg9 : memref<128x128xf32, #tpu.memory_space<vmem>>) target(%dma_start3A_66 : memref<128x128xf32, #tpu.memory_space<vmem_shared>>) target_semaphore(%run_scoped3A : memref<!tpu.dma_semaphore, #tpu.memory_space<semaphore_mem>>)
      %dma_wait3A = arith.constant 0 : i32
      %dma_wait3A_67 = tpu.memref_slice %arg13[%add3A_6, %dma_wait3A] : memref<10000x128xf32, #tpu.memory_space<vmem_shared>> -> memref<128x128xf32, #tpu.memory_space<vmem_shared>>
      %dma_wait3A_68 = arith.constant 0 : i32
      %dma_wait3A_69 = tpu.memref_slice %arg13[%add3A_6, %dma_wait3A_68] : memref<10000x128xf32, #tpu.memory_space<vmem_shared>> -> memref<128x128xf32, #tpu.memory_space<vmem_shared>>
      tpu.wait_dma2 semaphore(%run_scoped3A : memref<!tpu.dma_semaphore, #tpu.memory_space<semaphore_mem>>) src(%arg9 : memref<128x128xf32, #tpu.memory_space<vmem>>) dst(%dma_wait3A_69 : memref<128x128xf32, #tpu.memory_space<vmem_shared>>)
      tpu.yield
    }) : () -> ()
    %add3A_7 = arith.constant 256 : i32
    %add3A_8 = arith.addi %mul3A_2, %add3A_7 : i32
    "tpu.region"() ({
      %run_scoped3A = tpu.sem_alloc : memref<!tpu.dma_semaphore, #tpu.memory_space<semaphore_mem>>
      %dma_start3A = arith.constant 0 : i32
      %dma_start3A_64 = tpu.memref_slice %arg13[%add3A_8, %dma_start3A] : memref<10000x128xf32, #tpu.memory_space<vmem_shared>> -> memref<128x128xf32, #tpu.memory_space<vmem_shared>>
      %dma_start3A_65 = arith.constant 0 : i32
      %dma_start3A_66 = tpu.memref_slice %arg13[%add3A_8, %dma_start3A_65] : memref<10000x128xf32, #tpu.memory_space<vmem_shared>> -> memref<128x128xf32, #tpu.memory_space<vmem_shared>>
      tpu.enqueue_dma source(%arg9 : memref<128x128xf32, #tpu.memory_space<vmem>>) target(%dma_start3A_66 : memref<128x128xf32, #tpu.memory_space<vmem_shared>>) target_semaphore(%run_scoped3A : memref<!tpu.dma_semaphore, #tpu.memory_space<semaphore_mem>>)
      %dma_wait3A = arith.constant 0 : i32
      %dma_wait3A_67 = tpu.memref_slice %arg13[%add3A_8, %dma_wait3A] : memref<10000x128xf32, #tpu.memory_space<vmem_shared>> -> memref<128x128xf32, #tpu.memory_space<vmem_shared>>
      %dma_wait3A_68 = arith.constant 0 : i32
      %dma_wait3A_69 = tpu.memref_slice %arg13[%add3A_8, %dma_wait3A_68] : memref<10000x128xf32, #tpu.memory_space<vmem_shared>> -> memref<128x128xf32, #tpu.memory_space<vmem_shared>>
      tpu.wait_dma2 semaphore(%run_scoped3A : memref<!tpu.dma_semaphore, #tpu.memory_space<semaphore_mem>>) src(%arg9 : memref<128x128xf32, #tpu.memory_space<vmem>>) dst(%dma_wait3A_69 : memref<128x128xf32, #tpu.memory_space<vmem_shared>>)
      tpu.yield
    }) : () -> ()
    %add3A_9 = arith.constant 384 : i32
    %add3A_10 = arith.addi %mul3A_2, %add3A_9 : i32
    "tpu.region"() ({
      %run_scoped3A = tpu.sem_alloc : memref<!tpu.dma_semaphore, #tpu.memory_space<semaphore_mem>>
      %dma_start3A = arith.constant 0 : i32
      %dma_start3A_64 = tpu.memref_slice %arg13[%add3A_10, %dma_start3A] : memref<10000x128xf32, #tpu.memory_space<vmem_shared>> -> memref<128x128xf32, #tpu.memory_space<vmem_shared>>
      %dma_start3A_65 = arith.constant 0 : i32
      %dma_start3A_66 = tpu.memref_slice %arg13[%add3A_10, %dma_start3A_65] : memref<10000x128xf32, #tpu.memory_space<vmem_shared>> -> memref<128x128xf32, #tpu.memory_space<vmem_shared>>
      tpu.enqueue_dma source(%arg9 : memref<128x128xf32, #tpu.memory_space<vmem>>) target(%dma_start3A_66 : memref<128x128xf32, #tpu.memory_space<vmem_shared>>) target_semaphore(%run_scoped3A : memref<!tpu.dma_semaphore, #tpu.memory_space<semaphore_mem>>)
      %dma_wait3A = arith.constant 0 : i32
      %dma_wait3A_67 = tpu.memref_slice %arg13[%add3A_10, %dma_wait3A] : memref<10000x128xf32, #tpu.memory_space<vmem_shared>> -> memref<128x128xf32, #tpu.memory_space<vmem_shared>>
      %dma_wait3A_68 = arith.constant 0 : i32
      %dma_wait3A_69 = tpu.memref_slice %arg13[%add3A_10, %dma_wait3A_68] : memref<10000x128xf32, #tpu.memory_space<vmem_shared>> -> memref<128x128xf32, #tpu.memory_space<vmem_shared>>
      tpu.wait_dma2 semaphore(%run_scoped3A : memref<!tpu.dma_semaphore, #tpu.memory_space<semaphore_mem>>) src(%arg9 : memref<128x128xf32, #tpu.memory_space<vmem>>) dst(%dma_wait3A_69 : memref<128x128xf32, #tpu.memory_space<vmem_shared>>)
      tpu.yield
    }) : () -> ()
    %add3A_11 = arith.constant 512 : i32
    %add3A_12 = arith.addi %mul3A_2, %add3A_11 : i32
    "tpu.region"() ({
      %run_scoped3A = tpu.sem_alloc : memref<!tpu.dma_semaphore, #tpu.memory_space<semaphore_mem>>
      %dma_start3A = arith.constant 0 : i32
      %dma_start3A_64 = arith.constant 0 : i32
      %dma_start3A_65 = tpu.memref_slice %arg9[%dma_start3A, %dma_start3A_64] : memref<128x128xf32, #tpu.memory_space<vmem>> -> memref<112x128xf32, #tpu.memory_space<vmem>>
      %dma_start3A_66 = arith.constant 0 : i32
      %dma_start3A_67 = tpu.memref_slice %arg13[%add3A_12, %dma_start3A_66] : memref<10000x128xf32, #tpu.memory_space<vmem_shared>> -> memref<112x128xf32, #tpu.memory_space<vmem_shared>>
      %dma_start3A_68 = arith.constant 0 : i32
      %dma_start3A_69 = tpu.memref_slice %arg13[%add3A_12, %dma_start3A_68] : memref<10000x128xf32, #tpu.memory_space<vmem_shared>> -> memref<112x128xf32, #tpu.memory_space<vmem_shared>>
      %dma_start3A_70 = arith.constant 0 : i32
      %dma_start3A_71 = arith.constant 0 : i32
      %dma_start3A_72 = tpu.memref_slice %arg9[%dma_start3A_70, %dma_start3A_71] : memref<128x128xf32, #tpu.memory_space<vmem>> -> memref<112x128xf32, #tpu.memory_space<vmem>>
      tpu.enqueue_dma source(%dma_start3A_72 : memref<112x128xf32, #tpu.memory_space<vmem>>) target(%dma_start3A_69 : memref<112x128xf32, #tpu.memory_space<vmem_shared>>) target_semaphore(%run_scoped3A : memref<!tpu.dma_semaphore, #tpu.memory_space<semaphore_mem>>)
      %dma_wait3A = arith.constant 0 : i32
      %dma_wait3A_73 = arith.constant 0 : i32
      %dma_wait3A_74 = tpu.memref_slice %arg9[%dma_wait3A, %dma_wait3A_73] : memref<128x128xf32, #tpu.memory_space<vmem>> -> memref<112x128xf32, #tpu.memory_space<vmem>>
      %dma_wait3A_75 = arith.constant 0 : i32
      %dma_wait3A_76 = tpu.memref_slice %arg13[%add3A_12, %dma_wait3A_75] : memref<10000x128xf32, #tpu.memory_space<vmem_shared>> -> memref<112x128xf32, #tpu.memory_space<vmem_shared>>
      %dma_wait3A_77 = arith.constant 0 : i32
      %dma_wait3A_78 = tpu.memref_slice %arg13[%add3A_12, %dma_wait3A_77] : memref<10000x128xf32, #tpu.memory_space<vmem_shared>> -> memref<112x128xf32, #tpu.memory_space<vmem_shared>>
      %dma_wait3A_79 = arith.constant 0 : i32
      %dma_wait3A_80 = arith.constant 0 : i32
      %dma_wait3A_81 = tpu.memref_slice %arg9[%dma_wait3A_79, %dma_wait3A_80] : memref<128x128xf32, #tpu.memory_space<vmem>> -> memref<112x128xf32, #tpu.memory_space<vmem>>
      tpu.wait_dma2 semaphore(%run_scoped3A : memref<!tpu.dma_semaphore, #tpu.memory_space<semaphore_mem>>) src(%dma_wait3A_81 : memref<112x128xf32, #tpu.memory_space<vmem>>) dst(%dma_wait3A_78 : memref<112x128xf32, #tpu.memory_space<vmem_shared>>)
      tpu.yield
    }) : () -> ()
    %eq3A = arith.constant 0 : i32
    %eq3A_13 = arith.cmpi eq, %arg1, %eq3A : i32
    %convert_element_type3A = arith.extui %eq3A_13 : i1 to i32
    %cond3A = arith.constant 0 : i32
    %cond3A_14 = arith.cmpi ne, %convert_element_type3A, %cond3A : i32
    scf.if %cond3A_14 {
      "tpu.region"() ({
        %run_scoped3A = tpu.sem_alloc : memref<!tpu.dma_semaphore, #tpu.memory_space<semaphore_mem>>
        %dma_start3A = arith.constant 0 : i32
        %dma_start3A_64 = arith.constant 0 : i32
        %dma_start3A_65 = tpu.memref_slice %arg9[%dma_start3A, %dma_start3A_64] : memref<128x128xf32, #tpu.memory_space<vmem>> -> memref<16x128xf32, #tpu.memory_space<vmem>>
        %dma_start3A_66 = arith.constant 9984 : i32
        %dma_start3A_67 = arith.constant 0 : i32
        %dma_start3A_68 = tpu.memref_slice %arg13[%dma_start3A_66, %dma_start3A_67] : memref<10000x128xf32, #tpu.memory_space<vmem_shared>> -> memref<16x128xf32, #tpu.memory_space<vmem_shared>>
        %dma_start3A_69 = arith.constant 9984 : i32
        %dma_start3A_70 = arith.constant 0 : i32
        %dma_start3A_71 = tpu.memref_slice %arg13[%dma_start3A_69, %dma_start3A_70] : memref<10000x128xf32, #tpu.memory_space<vmem_shared>> -> memref<16x128xf32, #tpu.memory_space<vmem_shared>>
        %dma_start3A_72 = arith.constant 0 : i32
        %dma_start3A_73 = arith.constant 0 : i32
        %dma_start3A_74 = tpu.memref_slice %arg9[%dma_start3A_72, %dma_start3A_73] : memref<128x128xf32, #tpu.memory_space<vmem>> -> memref<16x128xf32, #tpu.memory_space<vmem>>
        tpu.enqueue_dma source(%dma_start3A_74 : memref<16x128xf32, #tpu.memory_space<vmem>>) target(%dma_start3A_71 : memref<16x128xf32, #tpu.memory_space<vmem_shared>>) target_semaphore(%run_scoped3A : memref<!tpu.dma_semaphore, #tpu.memory_space<semaphore_mem>>)
        %dma_wait3A = arith.constant 0 : i32
        %dma_wait3A_75 = arith.constant 0 : i32
        %dma_wait3A_76 = tpu.memref_slice %arg9[%dma_wait3A, %dma_wait3A_75] : memref<128x128xf32, #tpu.memory_space<vmem>> -> memref<16x128xf32, #tpu.memory_space<vmem>>
        %dma_wait3A_77 = arith.constant 9984 : i32
        %dma_wait3A_78 = arith.constant 0 : i32
        %dma_wait3A_79 = tpu.memref_slice %arg13[%dma_wait3A_77, %dma_wait3A_78] : memref<10000x128xf32, #tpu.memory_space<vmem_shared>> -> memref<16x128xf32, #tpu.memory_space<vmem_shared>>
        %dma_wait3A_80 = arith.constant 9984 : i32
        %dma_wait3A_81 = arith.constant 0 : i32
        %dma_wait3A_82 = tpu.memref_slice %arg13[%dma_wait3A_80, %dma_wait3A_81] : memref<10000x128xf32, #tpu.memory_space<vmem_shared>> -> memref<16x128xf32, #tpu.memory_space<vmem_shared>>
        %dma_wait3A_83 = arith.constant 0 : i32
        %dma_wait3A_84 = arith.constant 0 : i32
        %dma_wait3A_85 = tpu.memref_slice %arg9[%dma_wait3A_83, %dma_wait3A_84] : memref<128x128xf32, #tpu.memory_space<vmem>> -> memref<16x128xf32, #tpu.memory_space<vmem>>
        tpu.wait_dma2 semaphore(%run_scoped3A : memref<!tpu.dma_semaphore, #tpu.memory_space<semaphore_mem>>) src(%dma_wait3A_85 : memref<16x128xf32, #tpu.memory_space<vmem>>) dst(%dma_wait3A_82 : memref<16x128xf32, #tpu.memory_space<vmem_shared>>)
        tpu.yield
      }) : () -> ()
    } else {
    }
    "tpu.region"() ({
      %run_scoped3A = tpu.sem_alloc : memref<!tpu.dma_semaphore, #tpu.memory_space<semaphore_mem>>
      tpu.enqueue_dma source(%arg5 : memref<640xf32, #tpu.memory_space<hbm>>) target(%arg12 : memref<640xf32, #tpu.memory_space<vmem>>) target_semaphore(%run_scoped3A : memref<!tpu.dma_semaphore, #tpu.memory_space<semaphore_mem>>)
      tpu.wait_dma2 semaphore(%run_scoped3A : memref<!tpu.dma_semaphore, #tpu.memory_space<semaphore_mem>>) src(%arg5 : memref<640xf32, #tpu.memory_space<hbm>>) dst(%arg12 : memref<640xf32, #tpu.memory_space<vmem>>)
      tpu.yield
    }) : () -> ()
    %mul3A_15 = arith.constant 640 : i32
    %mul3A_16 = arith.muli %arg1, %mul3A_15 : i32
    "tpu.region"() ({
      %run_scoped3A = tpu.sem_alloc : memref<!tpu.dma_semaphore, #tpu.memory_space<semaphore_mem>>
      %dma_start3A = tpu.memref_slice %arg14[%mul3A_16] : memref<10240xf32, #tpu.memory_space<vmem_shared>> -> memref<640xf32, #tpu.memory_space<vmem_shared>>
      %dma_start3A_64 = tpu.memref_slice %arg14[%mul3A_16] : memref<10240xf32, #tpu.memory_space<vmem_shared>> -> memref<640xf32, #tpu.memory_space<vmem_shared>>
      tpu.enqueue_dma source(%arg12 : memref<640xf32, #tpu.memory_space<vmem>>) target(%dma_start3A_64 : memref<640xf32, #tpu.memory_space<vmem_shared>>) target_semaphore(%run_scoped3A : memref<!tpu.dma_semaphore, #tpu.memory_space<semaphore_mem>>)
      %dma_wait3A = tpu.memref_slice %arg14[%mul3A_16] : memref<10240xf32, #tpu.memory_space<vmem_shared>> -> memref<640xf32, #tpu.memory_space<vmem_shared>>
      %dma_wait3A_65 = tpu.memref_slice %arg14[%mul3A_16] : memref<10240xf32, #tpu.memory_space<vmem_shared>> -> memref<640xf32, #tpu.memory_space<vmem_shared>>
      tpu.wait_dma2 semaphore(%run_scoped3A : memref<!tpu.dma_semaphore, #tpu.memory_space<semaphore_mem>>) src(%arg12 : memref<640xf32, #tpu.memory_space<vmem>>) dst(%dma_wait3A_65 : memref<640xf32, #tpu.memory_space<vmem_shared>>)
      tpu.yield
    }) : () -> ()
    %barrier3A = arith.constant 0 : index
    tpu.barrier barrier_id(%barrier3A)
    %mul3A_17 = arith.constant 78 : i32
    %mul3A_18 = arith.muli %add3A, %mul3A_17 : i32
    %min3A = arith.constant 4 : i32
    %min3A_19 = arith.minsi %add3A, %min3A : i32
    %add3A_20 = arith.addi %mul3A_18, %min3A_19 : i32
    %lt3A = arith.constant 4 : i32
    %lt3A_21 = arith.cmpi slt, %add3A, %lt3A : i32
    %jit3A = arith.constant 1 : i32
    %jit3A_22 = arith.constant 0 : i32
    %select_n3A = arith.select %lt3A_21, %jit3A, %jit3A_22 : i32
    %add3A_23 = arith.constant 78 : i32
    %add3A_24 = arith.addi %add3A_23, %select_n3A : i32
    %while3A = arith.constant 0 : i32
    %while3A_25 = arith.constant 0 : i32
    %while3A_26 = arith.subi %add3A_24, %while3A_25 : i32
    %while3A_27 = arith.addi %while3A_25, %while3A_26 : i32
    %while3A_28 = arith.constant 1 : i32
    %while3A_29 = arith.divsi %while3A_26, %while3A_28 : i32
    %while3A_30 = arith.muli %while3A_29, %while3A_28 : i32
    %while3A_31 = arith.addi %while3A_25, %while3A_30 : i32
    %while3A_32 = arith.constant 1 : i32
    scf.for %while3A_64 = %while3A_25 to %while3A_31 step %while3A_32  : i32 {
      %add3A_65 = arith.addi %add3A_20, %while3A_64 : i32
      %mul3A_66 = arith.constant 128 : i32
      %mul3A_67 = arith.muli %add3A_65, %mul3A_66 : i32
      "tpu.region"() ({
        %run_scoped3A_69 = tpu.sem_alloc : memref<!tpu.dma_semaphore, #tpu.memory_space<semaphore_mem>>
        %dma_start3A = arith.constant 0 : i32
        %dma_start3A_70 = tpu.memref_slice %arg2[%mul3A_67, %dma_start3A] : memref<320000x128xf32, #tpu.memory_space<hbm>> -> memref<128x128xf32, #tpu.memory_space<hbm>>
        %dma_start3A_71 = arith.constant 0 : i32
        %dma_start3A_72 = tpu.memref_slice %arg2[%mul3A_67, %dma_start3A_71] : memref<320000x128xf32, #tpu.memory_space<hbm>> -> memref<128x128xf32, #tpu.memory_space<hbm>>
        tpu.enqueue_dma source(%dma_start3A_72 : memref<128x128xf32, #tpu.memory_space<hbm>>) target(%arg9 : memref<128x128xf32, #tpu.memory_space<vmem>>) target_semaphore(%run_scoped3A_69 : memref<!tpu.dma_semaphore, #tpu.memory_space<semaphore_mem>>)
        %dma_wait3A = arith.constant 0 : i32
        %dma_wait3A_73 = tpu.memref_slice %arg2[%mul3A_67, %dma_wait3A] : memref<320000x128xf32, #tpu.memory_space<hbm>> -> memref<128x128xf32, #tpu.memory_space<hbm>>
        %dma_wait3A_74 = arith.constant 0 : i32
        %dma_wait3A_75 = tpu.memref_slice %arg2[%mul3A_67, %dma_wait3A_74] : memref<320000x128xf32, #tpu.memory_space<hbm>> -> memref<128x128xf32, #tpu.memory_space<hbm>>
        tpu.wait_dma2 semaphore(%run_scoped3A_69 : memref<!tpu.dma_semaphore, #tpu.memory_space<semaphore_mem>>) src(%dma_wait3A_75 : memref<128x128xf32, #tpu.memory_space<hbm>>) dst(%arg9 : memref<128x128xf32, #tpu.memory_space<vmem>>)
        tpu.yield
      }) : () -> ()
      "tpu.region"() ({
        %run_scoped3A_69 = tpu.sem_alloc : memref<!tpu.dma_semaphore, #tpu.memory_space<semaphore_mem>>
        %dma_start3A = arith.constant 0 : i32
        %dma_start3A_70 = arith.constant 0 : i32
        %dma_start3A_71 = tpu.memref_slice %arg3[%add3A_65, %dma_start3A, %dma_start3A_70] : memref<2500x1x128xi32, #tpu.memory_space<hbm>> -> memref<1x1x128xi32, #tpu.memory_space<hbm>>
        %dma_start3A_72 = tpu.memref_squeeze %dma_start3A_71 : memref<1x1x128xi32, #tpu.memory_space<hbm>> -> memref<1x128xi32, #tpu.memory_space<hbm>>
        %dma_start3A_73 = arith.constant 0 : i32
        %dma_start3A_74 = arith.constant 0 : i32
        %dma_start3A_75 = tpu.memref_slice %arg3[%add3A_65, %dma_start3A_73, %dma_start3A_74] : memref<2500x1x128xi32, #tpu.memory_space<hbm>> -> memref<1x1x128xi32, #tpu.memory_space<hbm>>
        %dma_start3A_76 = tpu.memref_squeeze %dma_start3A_75 : memref<1x1x128xi32, #tpu.memory_space<hbm>> -> memref<1x128xi32, #tpu.memory_space<hbm>>
        tpu.enqueue_dma source(%dma_start3A_76 : memref<1x128xi32, #tpu.memory_space<hbm>>) target(%arg10 : memref<1x128xi32, #tpu.memory_space<vmem>>) target_semaphore(%run_scoped3A_69 : memref<!tpu.dma_semaphore, #tpu.memory_space<semaphore_mem>>)
        %dma_wait3A = arith.constant 0 : i32
        %dma_wait3A_77 = arith.constant 0 : i32
        %dma_wait3A_78 = tpu.memref_slice %arg3[%add3A_65, %dma_wait3A, %dma_wait3A_77] : memref<2500x1x128xi32, #tpu.memory_space<hbm>> -> memref<1x1x128xi32, #tpu.memory_space<hbm>>
        %dma_wait3A_79 = tpu.memref_squeeze %dma_wait3A_78 : memref<1x1x128xi32, #tpu.memory_space<hbm>> -> memref<1x128xi32, #tpu.memory_space<hbm>>
        %dma_wait3A_80 = arith.constant 0 : i32
        %dma_wait3A_81 = arith.constant 0 : i32
        %dma_wait3A_82 = tpu.memref_slice %arg3[%add3A_65, %dma_wait3A_80, %dma_wait3A_81] : memref<2500x1x128xi32, #tpu.memory_space<hbm>> -> memref<1x1x128xi32, #tpu.memory_space<hbm>>
        %dma_wait3A_83 = tpu.memref_squeeze %dma_wait3A_82 : memref<1x1x128xi32, #tpu.memory_space<hbm>> -> memref<1x128xi32, #tpu.memory_space<hbm>>
        tpu.wait_dma2 semaphore(%run_scoped3A_69 : memref<!tpu.dma_semaphore, #tpu.memory_space<semaphore_mem>>) src(%dma_wait3A_83 : memref<1x128xi32, #tpu.memory_space<hbm>>) dst(%arg10 : memref<1x128xi32, #tpu.memory_space<vmem>>)
        tpu.yield
      }) : () -> ()
      %run_scoped3A = arith.constant 0 : i32
      "tpu.region"() ({
        %run_scoped3A_69 = tpu.sem_alloc : memref<!tpu.dma_semaphore, #tpu.memory_space<semaphore_mem>>
        %dma_start3A = arith.constant 0 : i32
        %dma_start3A_70 = tpu.memref_slice %arg10[%run_scoped3A, %dma_start3A] : memref<1x128xi32, #tpu.memory_space<vmem>> -> memref<1x128xi32, #tpu.memory_space<vmem>>
        %dma_start3A_71 = tpu.memref_squeeze %dma_start3A_70 : memref<1x128xi32, #tpu.memory_space<vmem>> -> memref<128xi32, #tpu.memory_space<vmem>>
        %dma_start3A_72 = arith.constant 0 : i32
        %dma_start3A_73 = arith.constant 0 : i32
        %dma_start3A_74 = tpu.memref_slice %arg13[%dma_start3A_72, %dma_start3A_73] : memref<10000x128xf32, #tpu.memory_space<vmem_shared>> -> memref<10000x128xf32, #tpu.memory_space<vmem_shared>>
        tpu.enqueue_indirect_dma source(%arg9 : memref<128x128xf32, #tpu.memory_space<vmem>>) target(%dma_start3A_74 : memref<10000x128xf32, #tpu.memory_space<vmem_shared>>) offsets(%dma_start3A_71 : memref<128xi32, #tpu.memory_space<vmem>>) semaphore(%run_scoped3A_69 : memref<!tpu.dma_semaphore, #tpu.memory_space<semaphore_mem>>) {add = true}
        %dma_wait3A = arith.constant 0 : i32
        %dma_wait3A_75 = tpu.memref_slice %arg10[%run_scoped3A, %dma_wait3A] : memref<1x128xi32, #tpu.memory_space<vmem>> -> memref<1x128xi32, #tpu.memory_space<vmem>>
        %dma_wait3A_76 = tpu.memref_squeeze %dma_wait3A_75 : memref<1x128xi32, #tpu.memory_space<vmem>> -> memref<128xi32, #tpu.memory_space<vmem>>
        %dma_wait3A_77 = arith.constant 0 : i32
        %dma_wait3A_78 = arith.constant 0 : i32
        %dma_wait3A_79 = tpu.memref_slice %arg13[%dma_wait3A_77, %dma_wait3A_78] : memref<10000x128xf32, #tpu.memory_space<vmem_shared>> -> memref<10000x128xf32, #tpu.memory_space<vmem_shared>>
        tpu.wait_indirect_dma semaphore(%run_scoped3A_69 : memref<!tpu.dma_semaphore, #tpu.memory_space<semaphore_mem>>) src(%arg9 : memref<128x128xf32, #tpu.memory_space<vmem>>) dst(%dma_wait3A_79 : memref<10000x128xf32, #tpu.memory_space<vmem_shared>>)
        tpu.yield
      }) : () -> ()
      %run_scoped3A_68 = arith.constant 0 : i32
      "tpu.region"() ({
        %run_scoped3A_69 = tpu.sem_alloc : memref<!tpu.dma_semaphore, #tpu.memory_space<semaphore_mem>>
        %dma_start3A = arith.constant 0 : i32
        %dma_start3A_70 = tpu.memref_slice %arg10[%run_scoped3A_68, %dma_start3A] : memref<1x128xi32, #tpu.memory_space<vmem>> -> memref<1x128xi32, #tpu.memory_space<vmem>>
        %dma_start3A_71 = tpu.memref_squeeze %dma_start3A_70 : memref<1x128xi32, #tpu.memory_space<vmem>> -> memref<128xi32, #tpu.memory_space<vmem>>
        %dma_start3A_72 = arith.constant 0 : i32
        %dma_start3A_73 = tpu.memref_slice %arg14[%dma_start3A_72] : memref<10240xf32, #tpu.memory_space<vmem_shared>> -> memref<10240xf32, #tpu.memory_space<vmem_shared>>
        tpu.enqueue_indirect_dma source(%arg11 : memref<128xf32, #tpu.memory_space<vmem>>) target(%dma_start3A_73 : memref<10240xf32, #tpu.memory_space<vmem_shared>>) offsets(%dma_start3A_71 : memref<128xi32, #tpu.memory_space<vmem>>) semaphore(%run_scoped3A_69 : memref<!tpu.dma_semaphore, #tpu.memory_space<semaphore_mem>>) {add = true}
        %dma_wait3A = arith.constant 0 : i32
        %dma_wait3A_74 = tpu.memref_slice %arg10[%run_scoped3A_68, %dma_wait3A] : memref<1x128xi32, #tpu.memory_space<vmem>> -> memref<1x128xi32, #tpu.memory_space<vmem>>
        %dma_wait3A_75 = tpu.memref_squeeze %dma_wait3A_74 : memref<1x128xi32, #tpu.memory_space<vmem>> -> memref<128xi32, #tpu.memory_space<vmem>>
        %dma_wait3A_76 = arith.constant 0 : i32
        %dma_wait3A_77 = tpu.memref_slice %arg14[%dma_wait3A_76] : memref<10240xf32, #tpu.memory_space<vmem_shared>> -> memref<10240xf32, #tpu.memory_space<vmem_shared>>
        tpu.wait_indirect_dma semaphore(%run_scoped3A_69 : memref<!tpu.dma_semaphore, #tpu.memory_space<semaphore_mem>>) src(%arg11 : memref<128xf32, #tpu.memory_space<vmem>>) dst(%dma_wait3A_77 : memref<10240xf32, #tpu.memory_space<vmem_shared>>)
        tpu.yield
      }) : () -> ()
    }
    %while3A_33 = arith.constant 1 : i32
    scf.for %while3A_64 = %while3A_31 to %while3A_27 step %while3A_33  : i32 {
      %add3A_65 = arith.addi %add3A_20, %while3A_64 : i32
      %mul3A_66 = arith.constant 128 : i32
      %mul3A_67 = arith.muli %add3A_65, %mul3A_66 : i32
      "tpu.region"() ({
        %run_scoped3A_69 = tpu.sem_alloc : memref<!tpu.dma_semaphore, #tpu.memory_space<semaphore_mem>>
        %dma_start3A = arith.constant 0 : i32
        %dma_start3A_70 = tpu.memref_slice %arg2[%mul3A_67, %dma_start3A] : memref<320000x128xf32, #tpu.memory_space<hbm>> -> memref<128x128xf32, #tpu.memory_space<hbm>>
        %dma_start3A_71 = arith.constant 0 : i32
        %dma_start3A_72 = tpu.memref_slice %arg2[%mul3A_67, %dma_start3A_71] : memref<320000x128xf32, #tpu.memory_space<hbm>> -> memref<128x128xf32, #tpu.memory_space<hbm>>
        tpu.enqueue_dma source(%dma_start3A_72 : memref<128x128xf32, #tpu.memory_space<hbm>>) target(%arg9 : memref<128x128xf32, #tpu.memory_space<vmem>>) target_semaphore(%run_scoped3A_69 : memref<!tpu.dma_semaphore, #tpu.memory_space<semaphore_mem>>)
        %dma_wait3A = arith.constant 0 : i32
        %dma_wait3A_73 = tpu.memref_slice %arg2[%mul3A_67, %dma_wait3A] : memref<320000x128xf32, #tpu.memory_space<hbm>> -> memref<128x128xf32, #tpu.memory_space<hbm>>
        %dma_wait3A_74 = arith.constant 0 : i32
        %dma_wait3A_75 = tpu.memref_slice %arg2[%mul3A_67, %dma_wait3A_74] : memref<320000x128xf32, #tpu.memory_space<hbm>> -> memref<128x128xf32, #tpu.memory_space<hbm>>
        tpu.wait_dma2 semaphore(%run_scoped3A_69 : memref<!tpu.dma_semaphore, #tpu.memory_space<semaphore_mem>>) src(%dma_wait3A_75 : memref<128x128xf32, #tpu.memory_space<hbm>>) dst(%arg9 : memref<128x128xf32, #tpu.memory_space<vmem>>)
        tpu.yield
      }) : () -> ()
      "tpu.region"() ({
        %run_scoped3A_69 = tpu.sem_alloc : memref<!tpu.dma_semaphore, #tpu.memory_space<semaphore_mem>>
        %dma_start3A = arith.constant 0 : i32
        %dma_start3A_70 = arith.constant 0 : i32
        %dma_start3A_71 = tpu.memref_slice %arg3[%add3A_65, %dma_start3A, %dma_start3A_70] : memref<2500x1x128xi32, #tpu.memory_space<hbm>> -> memref<1x1x128xi32, #tpu.memory_space<hbm>>
        %dma_start3A_72 = tpu.memref_squeeze %dma_start3A_71 : memref<1x1x128xi32, #tpu.memory_space<hbm>> -> memref<1x128xi32, #tpu.memory_space<hbm>>
        %dma_start3A_73 = arith.constant 0 : i32
        %dma_start3A_74 = arith.constant 0 : i32
        %dma_start3A_75 = tpu.memref_slice %arg3[%add3A_65, %dma_start3A_73, %dma_start3A_74] : memref<2500x1x128xi32, #tpu.memory_space<hbm>> -> memref<1x1x128xi32, #tpu.memory_space<hbm>>
        %dma_start3A_76 = tpu.memref_squeeze %dma_start3A_75 : memref<1x1x128xi32, #tpu.memory_space<hbm>> -> memref<1x128xi32, #tpu.memory_space<hbm>>
        tpu.enqueue_dma source(%dma_start3A_76 : memref<1x128xi32, #tpu.memory_space<hbm>>) target(%arg10 : memref<1x128xi32, #tpu.memory_space<vmem>>) target_semaphore(%run_scoped3A_69 : memref<!tpu.dma_semaphore, #tpu.memory_space<semaphore_mem>>)
        %dma_wait3A = arith.constant 0 : i32
        %dma_wait3A_77 = arith.constant 0 : i32
        %dma_wait3A_78 = tpu.memref_slice %arg3[%add3A_65, %dma_wait3A, %dma_wait3A_77] : memref<2500x1x128xi32, #tpu.memory_space<hbm>> -> memref<1x1x128xi32, #tpu.memory_space<hbm>>
        %dma_wait3A_79 = tpu.memref_squeeze %dma_wait3A_78 : memref<1x1x128xi32, #tpu.memory_space<hbm>> -> memref<1x128xi32, #tpu.memory_space<hbm>>
        %dma_wait3A_80 = arith.constant 0 : i32
        %dma_wait3A_81 = arith.constant 0 : i32
        %dma_wait3A_82 = tpu.memref_slice %arg3[%add3A_65, %dma_wait3A_80, %dma_wait3A_81] : memref<2500x1x128xi32, #tpu.memory_space<hbm>> -> memref<1x1x128xi32, #tpu.memory_space<hbm>>
        %dma_wait3A_83 = tpu.memref_squeeze %dma_wait3A_82 : memref<1x1x128xi32, #tpu.memory_space<hbm>> -> memref<1x128xi32, #tpu.memory_space<hbm>>
        tpu.wait_dma2 semaphore(%run_scoped3A_69 : memref<!tpu.dma_semaphore, #tpu.memory_space<semaphore_mem>>) src(%dma_wait3A_83 : memref<1x128xi32, #tpu.memory_space<hbm>>) dst(%arg10 : memref<1x128xi32, #tpu.memory_space<vmem>>)
        tpu.yield
      }) : () -> ()
      %run_scoped3A = arith.constant 0 : i32
      "tpu.region"() ({
        %run_scoped3A_69 = tpu.sem_alloc : memref<!tpu.dma_semaphore, #tpu.memory_space<semaphore_mem>>
        %dma_start3A = arith.constant 0 : i32
        %dma_start3A_70 = tpu.memref_slice %arg10[%run_scoped3A, %dma_start3A] : memref<1x128xi32, #tpu.memory_space<vmem>> -> memref<1x128xi32, #tpu.memory_space<vmem>>
        %dma_start3A_71 = tpu.memref_squeeze %dma_start3A_70 : memref<1x128xi32, #tpu.memory_space<vmem>> -> memref<128xi32, #tpu.memory_space<vmem>>
        %dma_start3A_72 = arith.constant 0 : i32
        %dma_start3A_73 = arith.constant 0 : i32
        %dma_start3A_74 = tpu.memref_slice %arg13[%dma_start3A_72, %dma_start3A_73] : memref<10000x128xf32, #tpu.memory_space<vmem_shared>> -> memref<10000x128xf32, #tpu.memory_space<vmem_shared>>
        tpu.enqueue_indirect_dma source(%arg9 : memref<128x128xf32, #tpu.memory_space<vmem>>) target(%dma_start3A_74 : memref<10000x128xf32, #tpu.memory_space<vmem_shared>>) offsets(%dma_start3A_71 : memref<128xi32, #tpu.memory_space<vmem>>) semaphore(%run_scoped3A_69 : memref<!tpu.dma_semaphore, #tpu.memory_space<semaphore_mem>>) {add = true}
        %dma_wait3A = arith.constant 0 : i32
        %dma_wait3A_75 = tpu.memref_slice %arg10[%run_scoped3A, %dma_wait3A] : memref<1x128xi32, #tpu.memory_space<vmem>> -> memref<1x128xi32, #tpu.memory_space<vmem>>
        %dma_wait3A_76 = tpu.memref_squeeze %dma_wait3A_75 : memref<1x128xi32, #tpu.memory_space<vmem>> -> memref<128xi32, #tpu.memory_space<vmem>>
        %dma_wait3A_77 = arith.constant 0 : i32
        %dma_wait3A_78 = arith.constant 0 : i32
        %dma_wait3A_79 = tpu.memref_slice %arg13[%dma_wait3A_77, %dma_wait3A_78] : memref<10000x128xf32, #tpu.memory_space<vmem_shared>> -> memref<10000x128xf32, #tpu.memory_space<vmem_shared>>
        tpu.wait_indirect_dma semaphore(%run_scoped3A_69 : memref<!tpu.dma_semaphore, #tpu.memory_space<semaphore_mem>>) src(%arg9 : memref<128x128xf32, #tpu.memory_space<vmem>>) dst(%dma_wait3A_79 : memref<10000x128xf32, #tpu.memory_space<vmem_shared>>)
        tpu.yield
      }) : () -> ()
      %run_scoped3A_68 = arith.constant 0 : i32
      "tpu.region"() ({
        %run_scoped3A_69 = tpu.sem_alloc : memref<!tpu.dma_semaphore, #tpu.memory_space<semaphore_mem>>
        %dma_start3A = arith.constant 0 : i32
        %dma_start3A_70 = tpu.memref_slice %arg10[%run_scoped3A_68, %dma_start3A] : memref<1x128xi32, #tpu.memory_space<vmem>> -> memref<1x128xi32, #tpu.memory_space<vmem>>
        %dma_start3A_71 = tpu.memref_squeeze %dma_start3A_70 : memref<1x128xi32, #tpu.memory_space<vmem>> -> memref<128xi32, #tpu.memory_space<vmem>>
        %dma_start3A_72 = arith.constant 0 : i32
        %dma_start3A_73 = tpu.memref_slice %arg14[%dma_start3A_72] : memref<10240xf32, #tpu.memory_space<vmem_shared>> -> memref<10240xf32, #tpu.memory_space<vmem_shared>>
        tpu.enqueue_indirect_dma source(%arg11 : memref<128xf32, #tpu.memory_space<vmem>>) target(%dma_start3A_73 : memref<10240xf32, #tpu.memory_space<vmem_shared>>) offsets(%dma_start3A_71 : memref<128xi32, #tpu.memory_space<vmem>>) semaphore(%run_scoped3A_69 : memref<!tpu.dma_semaphore, #tpu.memory_space<semaphore_mem>>) {add = true}
        %dma_wait3A = arith.constant 0 : i32
        %dma_wait3A_74 = tpu.memref_slice %arg10[%run_scoped3A_68, %dma_wait3A] : memref<1x128xi32, #tpu.memory_space<vmem>> -> memref<1x128xi32, #tpu.memory_space<vmem>>
        %dma_wait3A_75 = tpu.memref_squeeze %dma_wait3A_74 : memref<1x128xi32, #tpu.memory_space<vmem>> -> memref<128xi32, #tpu.memory_space<vmem>>
        %dma_wait3A_76 = arith.constant 0 : i32
        %dma_wait3A_77 = tpu.memref_slice %arg14[%dma_wait3A_76] : memref<10240xf32, #tpu.memory_space<vmem_shared>> -> memref<10240xf32, #tpu.memory_space<vmem_shared>>
        tpu.wait_indirect_dma semaphore(%run_scoped3A_69 : memref<!tpu.dma_semaphore, #tpu.memory_space<semaphore_mem>>) src(%arg11 : memref<128xf32, #tpu.memory_space<vmem>>) dst(%dma_wait3A_77 : memref<10240xf32, #tpu.memory_space<vmem_shared>>)
        tpu.yield
      }) : () -> ()
    }
    %barrier3A_34 = arith.constant 0 : index
    tpu.barrier barrier_id(%barrier3A_34)
    %add3A_35 = arith.constant 0 : i32
    %add3A_36 = arith.addi %mul3A_2, %add3A_35 : i32
    "tpu.region"() ({
      %run_scoped3A = tpu.sem_alloc : memref<!tpu.dma_semaphore, #tpu.memory_space<semaphore_mem>>
      %dma_start3A = arith.constant 0 : i32
      %dma_start3A_64 = arith.constant 0 : i32
      %dma_start3A_65 = tpu.memref_slice %arg9[%dma_start3A, %dma_start3A_64] : memref<128x128xf32, #tpu.memory_space<vmem>> -> memref<128x128xf32, #tpu.memory_space<vmem>>
      %dma_start3A_66 = arith.constant 0 : i32
      %dma_start3A_67 = tpu.memref_slice %arg13[%add3A_36, %dma_start3A_66] : memref<10000x128xf32, #tpu.memory_space<vmem_shared>> -> memref<128x128xf32, #tpu.memory_space<vmem_shared>>
      %dma_start3A_68 = arith.constant 0 : i32
      %dma_start3A_69 = arith.constant 0 : i32
      %dma_start3A_70 = tpu.memref_slice %arg9[%dma_start3A_68, %dma_start3A_69] : memref<128x128xf32, #tpu.memory_space<vmem>> -> memref<128x128xf32, #tpu.memory_space<vmem>>
      %dma_start3A_71 = arith.constant 0 : i32
      %dma_start3A_72 = tpu.memref_slice %arg13[%add3A_36, %dma_start3A_71] : memref<10000x128xf32, #tpu.memory_space<vmem_shared>> -> memref<128x128xf32, #tpu.memory_space<vmem_shared>>
      tpu.enqueue_dma source(%dma_start3A_72 : memref<128x128xf32, #tpu.memory_space<vmem_shared>>) target(%dma_start3A_70 : memref<128x128xf32, #tpu.memory_space<vmem>>) target_semaphore(%run_scoped3A : memref<!tpu.dma_semaphore, #tpu.memory_space<semaphore_mem>>)
      %dma_wait3A = arith.constant 0 : i32
      %dma_wait3A_73 = arith.constant 0 : i32
      %dma_wait3A_74 = tpu.memref_slice %arg9[%dma_wait3A, %dma_wait3A_73] : memref<128x128xf32, #tpu.memory_space<vmem>> -> memref<128x128xf32, #tpu.memory_space<vmem>>
      %dma_wait3A_75 = arith.constant 0 : i32
      %dma_wait3A_76 = tpu.memref_slice %arg13[%add3A_36, %dma_wait3A_75] : memref<10000x128xf32, #tpu.memory_space<vmem_shared>> -> memref<128x128xf32, #tpu.memory_space<vmem_shared>>
      %dma_wait3A_77 = arith.constant 0 : i32
      %dma_wait3A_78 = arith.constant 0 : i32
      %dma_wait3A_79 = tpu.memref_slice %arg9[%dma_wait3A_77, %dma_wait3A_78] : memref<128x128xf32, #tpu.memory_space<vmem>> -> memref<128x128xf32, #tpu.memory_space<vmem>>
      %dma_wait3A_80 = arith.constant 0 : i32
      %dma_wait3A_81 = tpu.memref_slice %arg13[%add3A_36, %dma_wait3A_80] : memref<10000x128xf32, #tpu.memory_space<vmem_shared>> -> memref<128x128xf32, #tpu.memory_space<vmem_shared>>
      tpu.wait_dma2 semaphore(%run_scoped3A : memref<!tpu.dma_semaphore, #tpu.memory_space<semaphore_mem>>) src(%dma_wait3A_81 : memref<128x128xf32, #tpu.memory_space<vmem_shared>>) dst(%dma_wait3A_79 : memref<128x128xf32, #tpu.memory_space<vmem>>)
      tpu.yield
    }) : () -> ()
    %add3A_37 = arith.constant 0 : i32
    %add3A_38 = arith.addi %mul3A_2, %add3A_37 : i32
    "tpu.region"() ({
      %run_scoped3A = tpu.sem_alloc : memref<!tpu.dma_semaphore, #tpu.memory_space<semaphore_mem>>
      %dma_start3A = arith.constant 0 : i32
      %dma_start3A_64 = arith.constant 0 : i32
      %dma_start3A_65 = tpu.memref_slice %arg9[%dma_start3A, %dma_start3A_64] : memref<128x128xf32, #tpu.memory_space<vmem>> -> memref<128x128xf32, #tpu.memory_space<vmem>>
      %dma_start3A_66 = arith.constant 0 : i32
      %dma_start3A_67 = tpu.memref_slice %arg7[%arg0, %add3A_38, %dma_start3A_66] : memref<2x10000x128xf32, #tpu.memory_space<hbm>> -> memref<1x128x128xf32, #tpu.memory_space<hbm>>
      %dma_start3A_68 = tpu.memref_squeeze %dma_start3A_67 : memref<1x128x128xf32, #tpu.memory_space<hbm>> -> memref<128x128xf32, #tpu.memory_space<hbm>>
      %dma_start3A_69 = arith.constant 0 : i32
      %dma_start3A_70 = tpu.memref_slice %arg7[%arg0, %add3A_38, %dma_start3A_69] : memref<2x10000x128xf32, #tpu.memory_space<hbm>> -> memref<1x128x128xf32, #tpu.memory_space<hbm>>
      %dma_start3A_71 = tpu.memref_squeeze %dma_start3A_70 : memref<1x128x128xf32, #tpu.memory_space<hbm>> -> memref<128x128xf32, #tpu.memory_space<hbm>>
      %dma_start3A_72 = arith.constant 0 : i32
      %dma_start3A_73 = arith.constant 0 : i32
      %dma_start3A_74 = tpu.memref_slice %arg9[%dma_start3A_72, %dma_start3A_73] : memref<128x128xf32, #tpu.memory_space<vmem>> -> memref<128x128xf32, #tpu.memory_space<vmem>>
      tpu.enqueue_dma source(%dma_start3A_74 : memref<128x128xf32, #tpu.memory_space<vmem>>) target(%dma_start3A_71 : memref<128x128xf32, #tpu.memory_space<hbm>>) target_semaphore(%run_scoped3A : memref<!tpu.dma_semaphore, #tpu.memory_space<semaphore_mem>>)
      %dma_wait3A = arith.constant 0 : i32
      %dma_wait3A_75 = arith.constant 0 : i32
      %dma_wait3A_76 = tpu.memref_slice %arg9[%dma_wait3A, %dma_wait3A_75] : memref<128x128xf32, #tpu.memory_space<vmem>> -> memref<128x128xf32, #tpu.memory_space<vmem>>
      %dma_wait3A_77 = arith.constant 0 : i32
      %dma_wait3A_78 = tpu.memref_slice %arg7[%arg0, %add3A_38, %dma_wait3A_77] : memref<2x10000x128xf32, #tpu.memory_space<hbm>> -> memref<1x128x128xf32, #tpu.memory_space<hbm>>
      %dma_wait3A_79 = tpu.memref_squeeze %dma_wait3A_78 : memref<1x128x128xf32, #tpu.memory_space<hbm>> -> memref<128x128xf32, #tpu.memory_space<hbm>>
      %dma_wait3A_80 = arith.constant 0 : i32
      %dma_wait3A_81 = tpu.memref_slice %arg7[%arg0, %add3A_38, %dma_wait3A_80] : memref<2x10000x128xf32, #tpu.memory_space<hbm>> -> memref<1x128x128xf32, #tpu.memory_space<hbm>>
      %dma_wait3A_82 = tpu.memref_squeeze %dma_wait3A_81 : memref<1x128x128xf32, #tpu.memory_space<hbm>> -> memref<128x128xf32, #tpu.memory_space<hbm>>
      %dma_wait3A_83 = arith.constant 0 : i32
      %dma_wait3A_84 = arith.constant 0 : i32
      %dma_wait3A_85 = tpu.memref_slice %arg9[%dma_wait3A_83, %dma_wait3A_84] : memref<128x128xf32, #tpu.memory_space<vmem>> -> memref<128x128xf32, #tpu.memory_space<vmem>>
      tpu.wait_dma2 semaphore(%run_scoped3A : memref<!tpu.dma_semaphore, #tpu.memory_space<semaphore_mem>>) src(%dma_wait3A_85 : memref<128x128xf32, #tpu.memory_space<vmem>>) dst(%dma_wait3A_82 : memref<128x128xf32, #tpu.memory_space<hbm>>)
      tpu.yield
    }) : () -> ()
    %add3A_39 = arith.constant 128 : i32
    %add3A_40 = arith.addi %mul3A_2, %add3A_39 : i32
    "tpu.region"() ({
      %run_scoped3A = tpu.sem_alloc : memref<!tpu.dma_semaphore, #tpu.memory_space<semaphore_mem>>
      %dma_start3A = arith.constant 0 : i32
      %dma_start3A_64 = arith.constant 0 : i32
      %dma_start3A_65 = tpu.memref_slice %arg9[%dma_start3A, %dma_start3A_64] : memref<128x128xf32, #tpu.memory_space<vmem>> -> memref<128x128xf32, #tpu.memory_space<vmem>>
      %dma_start3A_66 = arith.constant 0 : i32
      %dma_start3A_67 = tpu.memref_slice %arg13[%add3A_40, %dma_start3A_66] : memref<10000x128xf32, #tpu.memory_space<vmem_shared>> -> memref<128x128xf32, #tpu.memory_space<vmem_shared>>
      %dma_start3A_68 = arith.constant 0 : i32
      %dma_start3A_69 = arith.constant 0 : i32
      %dma_start3A_70 = tpu.memref_slice %arg9[%dma_start3A_68, %dma_start3A_69] : memref<128x128xf32, #tpu.memory_space<vmem>> -> memref<128x128xf32, #tpu.memory_space<vmem>>
      %dma_start3A_71 = arith.constant 0 : i32
      %dma_start3A_72 = tpu.memref_slice %arg13[%add3A_40, %dma_start3A_71] : memref<10000x128xf32, #tpu.memory_space<vmem_shared>> -> memref<128x128xf32, #tpu.memory_space<vmem_shared>>
      tpu.enqueue_dma source(%dma_start3A_72 : memref<128x128xf32, #tpu.memory_space<vmem_shared>>) target(%dma_start3A_70 : memref<128x128xf32, #tpu.memory_space<vmem>>) target_semaphore(%run_scoped3A : memref<!tpu.dma_semaphore, #tpu.memory_space<semaphore_mem>>)
      %dma_wait3A = arith.constant 0 : i32
      %dma_wait3A_73 = arith.constant 0 : i32
      %dma_wait3A_74 = tpu.memref_slice %arg9[%dma_wait3A, %dma_wait3A_73] : memref<128x128xf32, #tpu.memory_space<vmem>> -> memref<128x128xf32, #tpu.memory_space<vmem>>
      %dma_wait3A_75 = arith.constant 0 : i32
      %dma_wait3A_76 = tpu.memref_slice %arg13[%add3A_40, %dma_wait3A_75] : memref<10000x128xf32, #tpu.memory_space<vmem_shared>> -> memref<128x128xf32, #tpu.memory_space<vmem_shared>>
      %dma_wait3A_77 = arith.constant 0 : i32
      %dma_wait3A_78 = arith.constant 0 : i32
      %dma_wait3A_79 = tpu.memref_slice %arg9[%dma_wait3A_77, %dma_wait3A_78] : memref<128x128xf32, #tpu.memory_space<vmem>> -> memref<128x128xf32, #tpu.memory_space<vmem>>
      %dma_wait3A_80 = arith.constant 0 : i32
      %dma_wait3A_81 = tpu.memref_slice %arg13[%add3A_40, %dma_wait3A_80] : memref<10000x128xf32, #tpu.memory_space<vmem_shared>> -> memref<128x128xf32, #tpu.memory_space<vmem_shared>>
      tpu.wait_dma2 semaphore(%run_scoped3A : memref<!tpu.dma_semaphore, #tpu.memory_space<semaphore_mem>>) src(%dma_wait3A_81 : memref<128x128xf32, #tpu.memory_space<vmem_shared>>) dst(%dma_wait3A_79 : memref<128x128xf32, #tpu.memory_space<vmem>>)
      tpu.yield
    }) : () -> ()
    %add3A_41 = arith.constant 128 : i32
    %add3A_42 = arith.addi %mul3A_2, %add3A_41 : i32
    "tpu.region"() ({
      %run_scoped3A = tpu.sem_alloc : memref<!tpu.dma_semaphore, #tpu.memory_space<semaphore_mem>>
      %dma_start3A = arith.constant 0 : i32
      %dma_start3A_64 = arith.constant 0 : i32
      %dma_start3A_65 = tpu.memref_slice %arg9[%dma_start3A, %dma_start3A_64] : memref<128x128xf32, #tpu.memory_space<vmem>> -> memref<128x128xf32, #tpu.memory_space<vmem>>
      %dma_start3A_66 = arith.constant 0 : i32
      %dma_start3A_67 = tpu.memref_slice %arg7[%arg0, %add3A_42, %dma_start3A_66] : memref<2x10000x128xf32, #tpu.memory_space<hbm>> -> memref<1x128x128xf32, #tpu.memory_space<hbm>>
      %dma_start3A_68 = tpu.memref_squeeze %dma_start3A_67 : memref<1x128x128xf32, #tpu.memory_space<hbm>> -> memref<128x128xf32, #tpu.memory_space<hbm>>
      %dma_start3A_69 = arith.constant 0 : i32
      %dma_start3A_70 = tpu.memref_slice %arg7[%arg0, %add3A_42, %dma_start3A_69] : memref<2x10000x128xf32, #tpu.memory_space<hbm>> -> memref<1x128x128xf32, #tpu.memory_space<hbm>>
      %dma_start3A_71 = tpu.memref_squeeze %dma_start3A_70 : memref<1x128x128xf32, #tpu.memory_space<hbm>> -> memref<128x128xf32, #tpu.memory_space<hbm>>
      %dma_start3A_72 = arith.constant 0 : i32
      %dma_start3A_73 = arith.constant 0 : i32
      %dma_start3A_74 = tpu.memref_slice %arg9[%dma_start3A_72, %dma_start3A_73] : memref<128x128xf32, #tpu.memory_space<vmem>> -> memref<128x128xf32, #tpu.memory_space<vmem>>
      tpu.enqueue_dma source(%dma_start3A_74 : memref<128x128xf32, #tpu.memory_space<vmem>>) target(%dma_start3A_71 : memref<128x128xf32, #tpu.memory_space<hbm>>) target_semaphore(%run_scoped3A : memref<!tpu.dma_semaphore, #tpu.memory_space<semaphore_mem>>)
      %dma_wait3A = arith.constant 0 : i32
      %dma_wait3A_75 = arith.constant 0 : i32
      %dma_wait3A_76 = tpu.memref_slice %arg9[%dma_wait3A, %dma_wait3A_75] : memref<128x128xf32, #tpu.memory_space<vmem>> -> memref<128x128xf32, #tpu.memory_space<vmem>>
      %dma_wait3A_77 = arith.constant 0 : i32
      %dma_wait3A_78 = tpu.memref_slice %arg7[%arg0, %add3A_42, %dma_wait3A_77] : memref<2x10000x128xf32, #tpu.memory_space<hbm>> -> memref<1x128x128xf32, #tpu.memory_space<hbm>>
      %dma_wait3A_79 = tpu.memref_squeeze %dma_wait3A_78 : memref<1x128x128xf32, #tpu.memory_space<hbm>> -> memref<128x128xf32, #tpu.memory_space<hbm>>
      %dma_wait3A_80 = arith.constant 0 : i32
      %dma_wait3A_81 = tpu.memref_slice %arg7[%arg0, %add3A_42, %dma_wait3A_80] : memref<2x10000x128xf32, #tpu.memory_space<hbm>> -> memref<1x128x128xf32, #tpu.memory_space<hbm>>
      %dma_wait3A_82 = tpu.memref_squeeze %dma_wait3A_81 : memref<1x128x128xf32, #tpu.memory_space<hbm>> -> memref<128x128xf32, #tpu.memory_space<hbm>>
      %dma_wait3A_83 = arith.constant 0 : i32
      %dma_wait3A_84 = arith.constant 0 : i32
      %dma_wait3A_85 = tpu.memref_slice %arg9[%dma_wait3A_83, %dma_wait3A_84] : memref<128x128xf32, #tpu.memory_space<vmem>> -> memref<128x128xf32, #tpu.memory_space<vmem>>
      tpu.wait_dma2 semaphore(%run_scoped3A : memref<!tpu.dma_semaphore, #tpu.memory_space<semaphore_mem>>) src(%dma_wait3A_85 : memref<128x128xf32, #tpu.memory_space<vmem>>) dst(%dma_wait3A_82 : memref<128x128xf32, #tpu.memory_space<hbm>>)
      tpu.yield
    }) : () -> ()
    %add3A_43 = arith.constant 256 : i32
    %add3A_44 = arith.addi %mul3A_2, %add3A_43 : i32
    "tpu.region"() ({
      %run_scoped3A = tpu.sem_alloc : memref<!tpu.dma_semaphore, #tpu.memory_space<semaphore_mem>>
      %dma_start3A = arith.constant 0 : i32
      %dma_start3A_64 = arith.constant 0 : i32
      %dma_start3A_65 = tpu.memref_slice %arg9[%dma_start3A, %dma_start3A_64] : memref<128x128xf32, #tpu.memory_space<vmem>> -> memref<128x128xf32, #tpu.memory_space<vmem>>
      %dma_start3A_66 = arith.constant 0 : i32
      %dma_start3A_67 = tpu.memref_slice %arg13[%add3A_44, %dma_start3A_66] : memref<10000x128xf32, #tpu.memory_space<vmem_shared>> -> memref<128x128xf32, #tpu.memory_space<vmem_shared>>
      %dma_start3A_68 = arith.constant 0 : i32
      %dma_start3A_69 = arith.constant 0 : i32
      %dma_start3A_70 = tpu.memref_slice %arg9[%dma_start3A_68, %dma_start3A_69] : memref<128x128xf32, #tpu.memory_space<vmem>> -> memref<128x128xf32, #tpu.memory_space<vmem>>
      %dma_start3A_71 = arith.constant 0 : i32
      %dma_start3A_72 = tpu.memref_slice %arg13[%add3A_44, %dma_start3A_71] : memref<10000x128xf32, #tpu.memory_space<vmem_shared>> -> memref<128x128xf32, #tpu.memory_space<vmem_shared>>
      tpu.enqueue_dma source(%dma_start3A_72 : memref<128x128xf32, #tpu.memory_space<vmem_shared>>) target(%dma_start3A_70 : memref<128x128xf32, #tpu.memory_space<vmem>>) target_semaphore(%run_scoped3A : memref<!tpu.dma_semaphore, #tpu.memory_space<semaphore_mem>>)
      %dma_wait3A = arith.constant 0 : i32
      %dma_wait3A_73 = arith.constant 0 : i32
      %dma_wait3A_74 = tpu.memref_slice %arg9[%dma_wait3A, %dma_wait3A_73] : memref<128x128xf32, #tpu.memory_space<vmem>> -> memref<128x128xf32, #tpu.memory_space<vmem>>
      %dma_wait3A_75 = arith.constant 0 : i32
      %dma_wait3A_76 = tpu.memref_slice %arg13[%add3A_44, %dma_wait3A_75] : memref<10000x128xf32, #tpu.memory_space<vmem_shared>> -> memref<128x128xf32, #tpu.memory_space<vmem_shared>>
      %dma_wait3A_77 = arith.constant 0 : i32
      %dma_wait3A_78 = arith.constant 0 : i32
      %dma_wait3A_79 = tpu.memref_slice %arg9[%dma_wait3A_77, %dma_wait3A_78] : memref<128x128xf32, #tpu.memory_space<vmem>> -> memref<128x128xf32, #tpu.memory_space<vmem>>
      %dma_wait3A_80 = arith.constant 0 : i32
      %dma_wait3A_81 = tpu.memref_slice %arg13[%add3A_44, %dma_wait3A_80] : memref<10000x128xf32, #tpu.memory_space<vmem_shared>> -> memref<128x128xf32, #tpu.memory_space<vmem_shared>>
      tpu.wait_dma2 semaphore(%run_scoped3A : memref<!tpu.dma_semaphore, #tpu.memory_space<semaphore_mem>>) src(%dma_wait3A_81 : memref<128x128xf32, #tpu.memory_space<vmem_shared>>) dst(%dma_wait3A_79 : memref<128x128xf32, #tpu.memory_space<vmem>>)
      tpu.yield
    }) : () -> ()
    %add3A_45 = arith.constant 256 : i32
    %add3A_46 = arith.addi %mul3A_2, %add3A_45 : i32
    "tpu.region"() ({
      %run_scoped3A = tpu.sem_alloc : memref<!tpu.dma_semaphore, #tpu.memory_space<semaphore_mem>>
      %dma_start3A = arith.constant 0 : i32
      %dma_start3A_64 = arith.constant 0 : i32
      %dma_start3A_65 = tpu.memref_slice %arg9[%dma_start3A, %dma_start3A_64] : memref<128x128xf32, #tpu.memory_space<vmem>> -> memref<128x128xf32, #tpu.memory_space<vmem>>
      %dma_start3A_66 = arith.constant 0 : i32
      %dma_start3A_67 = tpu.memref_slice %arg7[%arg0, %add3A_46, %dma_start3A_66] : memref<2x10000x128xf32, #tpu.memory_space<hbm>> -> memref<1x128x128xf32, #tpu.memory_space<hbm>>
      %dma_start3A_68 = tpu.memref_squeeze %dma_start3A_67 : memref<1x128x128xf32, #tpu.memory_space<hbm>> -> memref<128x128xf32, #tpu.memory_space<hbm>>
      %dma_start3A_69 = arith.constant 0 : i32
      %dma_start3A_70 = tpu.memref_slice %arg7[%arg0, %add3A_46, %dma_start3A_69] : memref<2x10000x128xf32, #tpu.memory_space<hbm>> -> memref<1x128x128xf32, #tpu.memory_space<hbm>>
      %dma_start3A_71 = tpu.memref_squeeze %dma_start3A_70 : memref<1x128x128xf32, #tpu.memory_space<hbm>> -> memref<128x128xf32, #tpu.memory_space<hbm>>
      %dma_start3A_72 = arith.constant 0 : i32
      %dma_start3A_73 = arith.constant 0 : i32
      %dma_start3A_74 = tpu.memref_slice %arg9[%dma_start3A_72, %dma_start3A_73] : memref<128x128xf32, #tpu.memory_space<vmem>> -> memref<128x128xf32, #tpu.memory_space<vmem>>
      tpu.enqueue_dma source(%dma_start3A_74 : memref<128x128xf32, #tpu.memory_space<vmem>>) target(%dma_start3A_71 : memref<128x128xf32, #tpu.memory_space<hbm>>) target_semaphore(%run_scoped3A : memref<!tpu.dma_semaphore, #tpu.memory_space<semaphore_mem>>)
      %dma_wait3A = arith.constant 0 : i32
      %dma_wait3A_75 = arith.constant 0 : i32
      %dma_wait3A_76 = tpu.memref_slice %arg9[%dma_wait3A, %dma_wait3A_75] : memref<128x128xf32, #tpu.memory_space<vmem>> -> memref<128x128xf32, #tpu.memory_space<vmem>>
      %dma_wait3A_77 = arith.constant 0 : i32
      %dma_wait3A_78 = tpu.memref_slice %arg7[%arg0, %add3A_46, %dma_wait3A_77] : memref<2x10000x128xf32, #tpu.memory_space<hbm>> -> memref<1x128x128xf32, #tpu.memory_space<hbm>>
      %dma_wait3A_79 = tpu.memref_squeeze %dma_wait3A_78 : memref<1x128x128xf32, #tpu.memory_space<hbm>> -> memref<128x128xf32, #tpu.memory_space<hbm>>
      %dma_wait3A_80 = arith.constant 0 : i32
      %dma_wait3A_81 = tpu.memref_slice %arg7[%arg0, %add3A_46, %dma_wait3A_80] : memref<2x10000x128xf32, #tpu.memory_space<hbm>> -> memref<1x128x128xf32, #tpu.memory_space<hbm>>
      %dma_wait3A_82 = tpu.memref_squeeze %dma_wait3A_81 : memref<1x128x128xf32, #tpu.memory_space<hbm>> -> memref<128x128xf32, #tpu.memory_space<hbm>>
      %dma_wait3A_83 = arith.constant 0 : i32
      %dma_wait3A_84 = arith.constant 0 : i32
      %dma_wait3A_85 = tpu.memref_slice %arg9[%dma_wait3A_83, %dma_wait3A_84] : memref<128x128xf32, #tpu.memory_space<vmem>> -> memref<128x128xf32, #tpu.memory_space<vmem>>
      tpu.wait_dma2 semaphore(%run_scoped3A : memref<!tpu.dma_semaphore, #tpu.memory_space<semaphore_mem>>) src(%dma_wait3A_85 : memref<128x128xf32, #tpu.memory_space<vmem>>) dst(%dma_wait3A_82 : memref<128x128xf32, #tpu.memory_space<hbm>>)
      tpu.yield
    }) : () -> ()
    %add3A_47 = arith.constant 384 : i32
    %add3A_48 = arith.addi %mul3A_2, %add3A_47 : i32
    "tpu.region"() ({
      %run_scoped3A = tpu.sem_alloc : memref<!tpu.dma_semaphore, #tpu.memory_space<semaphore_mem>>
      %dma_start3A = arith.constant 0 : i32
      %dma_start3A_64 = arith.constant 0 : i32
      %dma_start3A_65 = tpu.memref_slice %arg9[%dma_start3A, %dma_start3A_64] : memref<128x128xf32, #tpu.memory_space<vmem>> -> memref<128x128xf32, #tpu.memory_space<vmem>>
      %dma_start3A_66 = arith.constant 0 : i32
      %dma_start3A_67 = tpu.memref_slice %arg13[%add3A_48, %dma_start3A_66] : memref<10000x128xf32, #tpu.memory_space<vmem_shared>> -> memref<128x128xf32, #tpu.memory_space<vmem_shared>>
      %dma_start3A_68 = arith.constant 0 : i32
      %dma_start3A_69 = arith.constant 0 : i32
      %dma_start3A_70 = tpu.memref_slice %arg9[%dma_start3A_68, %dma_start3A_69] : memref<128x128xf32, #tpu.memory_space<vmem>> -> memref<128x128xf32, #tpu.memory_space<vmem>>
      %dma_start3A_71 = arith.constant 0 : i32
      %dma_start3A_72 = tpu.memref_slice %arg13[%add3A_48, %dma_start3A_71] : memref<10000x128xf32, #tpu.memory_space<vmem_shared>> -> memref<128x128xf32, #tpu.memory_space<vmem_shared>>
      tpu.enqueue_dma source(%dma_start3A_72 : memref<128x128xf32, #tpu.memory_space<vmem_shared>>) target(%dma_start3A_70 : memref<128x128xf32, #tpu.memory_space<vmem>>) target_semaphore(%run_scoped3A : memref<!tpu.dma_semaphore, #tpu.memory_space<semaphore_mem>>)
      %dma_wait3A = arith.constant 0 : i32
      %dma_wait3A_73 = arith.constant 0 : i32
      %dma_wait3A_74 = tpu.memref_slice %arg9[%dma_wait3A, %dma_wait3A_73] : memref<128x128xf32, #tpu.memory_space<vmem>> -> memref<128x128xf32, #tpu.memory_space<vmem>>
      %dma_wait3A_75 = arith.constant 0 : i32
      %dma_wait3A_76 = tpu.memref_slice %arg13[%add3A_48, %dma_wait3A_75] : memref<10000x128xf32, #tpu.memory_space<vmem_shared>> -> memref<128x128xf32, #tpu.memory_space<vmem_shared>>
      %dma_wait3A_77 = arith.constant 0 : i32
      %dma_wait3A_78 = arith.constant 0 : i32
      %dma_wait3A_79 = tpu.memref_slice %arg9[%dma_wait3A_77, %dma_wait3A_78] : memref<128x128xf32, #tpu.memory_space<vmem>> -> memref<128x128xf32, #tpu.memory_space<vmem>>
      %dma_wait3A_80 = arith.constant 0 : i32
      %dma_wait3A_81 = tpu.memref_slice %arg13[%add3A_48, %dma_wait3A_80] : memref<10000x128xf32, #tpu.memory_space<vmem_shared>> -> memref<128x128xf32, #tpu.memory_space<vmem_shared>>
      tpu.wait_dma2 semaphore(%run_scoped3A : memref<!tpu.dma_semaphore, #tpu.memory_space<semaphore_mem>>) src(%dma_wait3A_81 : memref<128x128xf32, #tpu.memory_space<vmem_shared>>) dst(%dma_wait3A_79 : memref<128x128xf32, #tpu.memory_space<vmem>>)
      tpu.yield
    }) : () -> ()
    %add3A_49 = arith.constant 384 : i32
    %add3A_50 = arith.addi %mul3A_2, %add3A_49 : i32
    "tpu.region"() ({
      %run_scoped3A = tpu.sem_alloc : memref<!tpu.dma_semaphore, #tpu.memory_space<semaphore_mem>>
      %dma_start3A = arith.constant 0 : i32
      %dma_start3A_64 = arith.constant 0 : i32
      %dma_start3A_65 = tpu.memref_slice %arg9[%dma_start3A, %dma_start3A_64] : memref<128x128xf32, #tpu.memory_space<vmem>> -> memref<128x128xf32, #tpu.memory_space<vmem>>
      %dma_start3A_66 = arith.constant 0 : i32
      %dma_start3A_67 = tpu.memref_slice %arg7[%arg0, %add3A_50, %dma_start3A_66] : memref<2x10000x128xf32, #tpu.memory_space<hbm>> -> memref<1x128x128xf32, #tpu.memory_space<hbm>>
      %dma_start3A_68 = tpu.memref_squeeze %dma_start3A_67 : memref<1x128x128xf32, #tpu.memory_space<hbm>> -> memref<128x128xf32, #tpu.memory_space<hbm>>
      %dma_start3A_69 = arith.constant 0 : i32
      %dma_start3A_70 = tpu.memref_slice %arg7[%arg0, %add3A_50, %dma_start3A_69] : memref<2x10000x128xf32, #tpu.memory_space<hbm>> -> memref<1x128x128xf32, #tpu.memory_space<hbm>>
      %dma_start3A_71 = tpu.memref_squeeze %dma_start3A_70 : memref<1x128x128xf32, #tpu.memory_space<hbm>> -> memref<128x128xf32, #tpu.memory_space<hbm>>
      %dma_start3A_72 = arith.constant 0 : i32
      %dma_start3A_73 = arith.constant 0 : i32
      %dma_start3A_74 = tpu.memref_slice %arg9[%dma_start3A_72, %dma_start3A_73] : memref<128x128xf32, #tpu.memory_space<vmem>> -> memref<128x128xf32, #tpu.memory_space<vmem>>
      tpu.enqueue_dma source(%dma_start3A_74 : memref<128x128xf32, #tpu.memory_space<vmem>>) target(%dma_start3A_71 : memref<128x128xf32, #tpu.memory_space<hbm>>) target_semaphore(%run_scoped3A : memref<!tpu.dma_semaphore, #tpu.memory_space<semaphore_mem>>)
      %dma_wait3A = arith.constant 0 : i32
      %dma_wait3A_75 = arith.constant 0 : i32
      %dma_wait3A_76 = tpu.memref_slice %arg9[%dma_wait3A, %dma_wait3A_75] : memref<128x128xf32, #tpu.memory_space<vmem>> -> memref<128x128xf32, #tpu.memory_space<vmem>>
      %dma_wait3A_77 = arith.constant 0 : i32
      %dma_wait3A_78 = tpu.memref_slice %arg7[%arg0, %add3A_50, %dma_wait3A_77] : memref<2x10000x128xf32, #tpu.memory_space<hbm>> -> memref<1x128x128xf32, #tpu.memory_space<hbm>>
      %dma_wait3A_79 = tpu.memref_squeeze %dma_wait3A_78 : memref<1x128x128xf32, #tpu.memory_space<hbm>> -> memref<128x128xf32, #tpu.memory_space<hbm>>
      %dma_wait3A_80 = arith.constant 0 : i32
      %dma_wait3A_81 = tpu.memref_slice %arg7[%arg0, %add3A_50, %dma_wait3A_80] : memref<2x10000x128xf32, #tpu.memory_space<hbm>> -> memref<1x128x128xf32, #tpu.memory_space<hbm>>
      %dma_wait3A_82 = tpu.memref_squeeze %dma_wait3A_81 : memref<1x128x128xf32, #tpu.memory_space<hbm>> -> memref<128x128xf32, #tpu.memory_space<hbm>>
      %dma_wait3A_83 = arith.constant 0 : i32
      %dma_wait3A_84 = arith.constant 0 : i32
      %dma_wait3A_85 = tpu.memref_slice %arg9[%dma_wait3A_83, %dma_wait3A_84] : memref<128x128xf32, #tpu.memory_space<vmem>> -> memref<128x128xf32, #tpu.memory_space<vmem>>
      tpu.wait_dma2 semaphore(%run_scoped3A : memref<!tpu.dma_semaphore, #tpu.memory_space<semaphore_mem>>) src(%dma_wait3A_85 : memref<128x128xf32, #tpu.memory_space<vmem>>) dst(%dma_wait3A_82 : memref<128x128xf32, #tpu.memory_space<hbm>>)
      tpu.yield
    }) : () -> ()
    %add3A_51 = arith.constant 512 : i32
    %add3A_52 = arith.addi %mul3A_2, %add3A_51 : i32
    "tpu.region"() ({
      %run_scoped3A = tpu.sem_alloc : memref<!tpu.dma_semaphore, #tpu.memory_space<semaphore_mem>>
      %dma_start3A = arith.constant 0 : i32
      %dma_start3A_64 = arith.constant 0 : i32
      %dma_start3A_65 = tpu.memref_slice %arg9[%dma_start3A, %dma_start3A_64] : memref<128x128xf32, #tpu.memory_space<vmem>> -> memref<112x128xf32, #tpu.memory_space<vmem>>
      %dma_start3A_66 = arith.constant 0 : i32
      %dma_start3A_67 = tpu.memref_slice %arg13[%add3A_52, %dma_start3A_66] : memref<10000x128xf32, #tpu.memory_space<vmem_shared>> -> memref<112x128xf32, #tpu.memory_space<vmem_shared>>
      %dma_start3A_68 = arith.constant 0 : i32
      %dma_start3A_69 = arith.constant 0 : i32
      %dma_start3A_70 = tpu.memref_slice %arg9[%dma_start3A_68, %dma_start3A_69] : memref<128x128xf32, #tpu.memory_space<vmem>> -> memref<112x128xf32, #tpu.memory_space<vmem>>
      %dma_start3A_71 = arith.constant 0 : i32
      %dma_start3A_72 = tpu.memref_slice %arg13[%add3A_52, %dma_start3A_71] : memref<10000x128xf32, #tpu.memory_space<vmem_shared>> -> memref<112x128xf32, #tpu.memory_space<vmem_shared>>
      tpu.enqueue_dma source(%dma_start3A_72 : memref<112x128xf32, #tpu.memory_space<vmem_shared>>) target(%dma_start3A_70 : memref<112x128xf32, #tpu.memory_space<vmem>>) target_semaphore(%run_scoped3A : memref<!tpu.dma_semaphore, #tpu.memory_space<semaphore_mem>>)
      %dma_wait3A = arith.constant 0 : i32
      %dma_wait3A_73 = arith.constant 0 : i32
      %dma_wait3A_74 = tpu.memref_slice %arg9[%dma_wait3A, %dma_wait3A_73] : memref<128x128xf32, #tpu.memory_space<vmem>> -> memref<112x128xf32, #tpu.memory_space<vmem>>
      %dma_wait3A_75 = arith.constant 0 : i32
      %dma_wait3A_76 = tpu.memref_slice %arg13[%add3A_52, %dma_wait3A_75] : memref<10000x128xf32, #tpu.memory_space<vmem_shared>> -> memref<112x128xf32, #tpu.memory_space<vmem_shared>>
      %dma_wait3A_77 = arith.constant 0 : i32
      %dma_wait3A_78 = arith.constant 0 : i32
      %dma_wait3A_79 = tpu.memref_slice %arg9[%dma_wait3A_77, %dma_wait3A_78] : memref<128x128xf32, #tpu.memory_space<vmem>> -> memref<112x128xf32, #tpu.memory_space<vmem>>
      %dma_wait3A_80 = arith.constant 0 : i32
      %dma_wait3A_81 = tpu.memref_slice %arg13[%add3A_52, %dma_wait3A_80] : memref<10000x128xf32, #tpu.memory_space<vmem_shared>> -> memref<112x128xf32, #tpu.memory_space<vmem_shared>>
      tpu.wait_dma2 semaphore(%run_scoped3A : memref<!tpu.dma_semaphore, #tpu.memory_space<semaphore_mem>>) src(%dma_wait3A_81 : memref<112x128xf32, #tpu.memory_space<vmem_shared>>) dst(%dma_wait3A_79 : memref<112x128xf32, #tpu.memory_space<vmem>>)
      tpu.yield
    }) : () -> ()
    %add3A_53 = arith.constant 512 : i32
    %add3A_54 = arith.addi %mul3A_2, %add3A_53 : i32
    "tpu.region"() ({
      %run_scoped3A = tpu.sem_alloc : memref<!tpu.dma_semaphore, #tpu.memory_space<semaphore_mem>>
      %dma_start3A = arith.constant 0 : i32
      %dma_start3A_64 = arith.constant 0 : i32
      %dma_start3A_65 = tpu.memref_slice %arg9[%dma_start3A, %dma_start3A_64] : memref<128x128xf32, #tpu.memory_space<vmem>> -> memref<112x128xf32, #tpu.memory_space<vmem>>
      %dma_start3A_66 = arith.constant 0 : i32
      %dma_start3A_67 = tpu.memref_slice %arg7[%arg0, %add3A_54, %dma_start3A_66] : memref<2x10000x128xf32, #tpu.memory_space<hbm>> -> memref<1x112x128xf32, #tpu.memory_space<hbm>>
      %dma_start3A_68 = tpu.memref_squeeze %dma_start3A_67 : memref<1x112x128xf32, #tpu.memory_space<hbm>> -> memref<112x128xf32, #tpu.memory_space<hbm>>
      %dma_start3A_69 = arith.constant 0 : i32
      %dma_start3A_70 = tpu.memref_slice %arg7[%arg0, %add3A_54, %dma_start3A_69] : memref<2x10000x128xf32, #tpu.memory_space<hbm>> -> memref<1x112x128xf32, #tpu.memory_space<hbm>>
      %dma_start3A_71 = tpu.memref_squeeze %dma_start3A_70 : memref<1x112x128xf32, #tpu.memory_space<hbm>> -> memref<112x128xf32, #tpu.memory_space<hbm>>
      %dma_start3A_72 = arith.constant 0 : i32
      %dma_start3A_73 = arith.constant 0 : i32
      %dma_start3A_74 = tpu.memref_slice %arg9[%dma_start3A_72, %dma_start3A_73] : memref<128x128xf32, #tpu.memory_space<vmem>> -> memref<112x128xf32, #tpu.memory_space<vmem>>
      tpu.enqueue_dma source(%dma_start3A_74 : memref<112x128xf32, #tpu.memory_space<vmem>>) target(%dma_start3A_71 : memref<112x128xf32, #tpu.memory_space<hbm>>) target_semaphore(%run_scoped3A : memref<!tpu.dma_semaphore, #tpu.memory_space<semaphore_mem>>)
      %dma_wait3A = arith.constant 0 : i32
      %dma_wait3A_75 = arith.constant 0 : i32
      %dma_wait3A_76 = tpu.memref_slice %arg9[%dma_wait3A, %dma_wait3A_75] : memref<128x128xf32, #tpu.memory_space<vmem>> -> memref<112x128xf32, #tpu.memory_space<vmem>>
      %dma_wait3A_77 = arith.constant 0 : i32
      %dma_wait3A_78 = tpu.memref_slice %arg7[%arg0, %add3A_54, %dma_wait3A_77] : memref<2x10000x128xf32, #tpu.memory_space<hbm>> -> memref<1x112x128xf32, #tpu.memory_space<hbm>>
      %dma_wait3A_79 = tpu.memref_squeeze %dma_wait3A_78 : memref<1x112x128xf32, #tpu.memory_space<hbm>> -> memref<112x128xf32, #tpu.memory_space<hbm>>
      %dma_wait3A_80 = arith.constant 0 : i32
      %dma_wait3A_81 = tpu.memref_slice %arg7[%arg0, %add3A_54, %dma_wait3A_80] : memref<2x10000x128xf32, #tpu.memory_space<hbm>> -> memref<1x112x128xf32, #tpu.memory_space<hbm>>
      %dma_wait3A_82 = tpu.memref_squeeze %dma_wait3A_81 : memref<1x112x128xf32, #tpu.memory_space<hbm>> -> memref<112x128xf32, #tpu.memory_space<hbm>>
      %dma_wait3A_83 = arith.constant 0 : i32
      %dma_wait3A_84 = arith.constant 0 : i32
      %dma_wait3A_85 = tpu.memref_slice %arg9[%dma_wait3A_83, %dma_wait3A_84] : memref<128x128xf32, #tpu.memory_space<vmem>> -> memref<112x128xf32, #tpu.memory_space<vmem>>
      tpu.wait_dma2 semaphore(%run_scoped3A : memref<!tpu.dma_semaphore, #tpu.memory_space<semaphore_mem>>) src(%dma_wait3A_85 : memref<112x128xf32, #tpu.memory_space<vmem>>) dst(%dma_wait3A_82 : memref<112x128xf32, #tpu.memory_space<hbm>>)
      tpu.yield
    }) : () -> ()
    %eq3A_55 = arith.constant 0 : i32
    %eq3A_56 = arith.cmpi eq, %arg1, %eq3A_55 : i32
    %convert_element_type3A_57 = arith.extui %eq3A_56 : i1 to i32
    %cond3A_58 = arith.constant 0 : i32
    %cond3A_59 = arith.cmpi ne, %convert_element_type3A_57, %cond3A_58 : i32
    scf.if %cond3A_59 {
      "tpu.region"() ({
        %run_scoped3A = tpu.sem_alloc : memref<!tpu.dma_semaphore, #tpu.memory_space<semaphore_mem>>
        %dma_start3A = arith.constant 0 : i32
        %dma_start3A_64 = arith.constant 0 : i32
        %dma_start3A_65 = tpu.memref_slice %arg9[%dma_start3A, %dma_start3A_64] : memref<128x128xf32, #tpu.memory_space<vmem>> -> memref<16x128xf32, #tpu.memory_space<vmem>>
        %dma_start3A_66 = arith.constant 9984 : i32
        %dma_start3A_67 = arith.constant 0 : i32
        %dma_start3A_68 = tpu.memref_slice %arg13[%dma_start3A_66, %dma_start3A_67] : memref<10000x128xf32, #tpu.memory_space<vmem_shared>> -> memref<16x128xf32, #tpu.memory_space<vmem_shared>>
        %dma_start3A_69 = arith.constant 0 : i32
        %dma_start3A_70 = arith.constant 0 : i32
        %dma_start3A_71 = tpu.memref_slice %arg9[%dma_start3A_69, %dma_start3A_70] : memref<128x128xf32, #tpu.memory_space<vmem>> -> memref<16x128xf32, #tpu.memory_space<vmem>>
        %dma_start3A_72 = arith.constant 9984 : i32
        %dma_start3A_73 = arith.constant 0 : i32
        %dma_start3A_74 = tpu.memref_slice %arg13[%dma_start3A_72, %dma_start3A_73] : memref<10000x128xf32, #tpu.memory_space<vmem_shared>> -> memref<16x128xf32, #tpu.memory_space<vmem_shared>>
        tpu.enqueue_dma source(%dma_start3A_74 : memref<16x128xf32, #tpu.memory_space<vmem_shared>>) target(%dma_start3A_71 : memref<16x128xf32, #tpu.memory_space<vmem>>) target_semaphore(%run_scoped3A : memref<!tpu.dma_semaphore, #tpu.memory_space<semaphore_mem>>)
        %dma_wait3A = arith.constant 0 : i32
        %dma_wait3A_75 = arith.constant 0 : i32
        %dma_wait3A_76 = tpu.memref_slice %arg9[%dma_wait3A, %dma_wait3A_75] : memref<128x128xf32, #tpu.memory_space<vmem>> -> memref<16x128xf32, #tpu.memory_space<vmem>>
        %dma_wait3A_77 = arith.constant 9984 : i32
        %dma_wait3A_78 = arith.constant 0 : i32
        %dma_wait3A_79 = tpu.memref_slice %arg13[%dma_wait3A_77, %dma_wait3A_78] : memref<10000x128xf32, #tpu.memory_space<vmem_shared>> -> memref<16x128xf32, #tpu.memory_space<vmem_shared>>
        %dma_wait3A_80 = arith.constant 0 : i32
        %dma_wait3A_81 = arith.constant 0 : i32
        %dma_wait3A_82 = tpu.memref_slice %arg9[%dma_wait3A_80, %dma_wait3A_81] : memref<128x128xf32, #tpu.memory_space<vmem>> -> memref<16x128xf32, #tpu.memory_space<vmem>>
        %dma_wait3A_83 = arith.constant 9984 : i32
        %dma_wait3A_84 = arith.constant 0 : i32
        %dma_wait3A_85 = tpu.memref_slice %arg13[%dma_wait3A_83, %dma_wait3A_84] : memref<10000x128xf32, #tpu.memory_space<vmem_shared>> -> memref<16x128xf32, #tpu.memory_space<vmem_shared>>
        tpu.wait_dma2 semaphore(%run_scoped3A : memref<!tpu.dma_semaphore, #tpu.memory_space<semaphore_mem>>) src(%dma_wait3A_85 : memref<16x128xf32, #tpu.memory_space<vmem_shared>>) dst(%dma_wait3A_82 : memref<16x128xf32, #tpu.memory_space<vmem>>)
        tpu.yield
      }) : () -> ()
      "tpu.region"() ({
        %run_scoped3A = tpu.sem_alloc : memref<!tpu.dma_semaphore, #tpu.memory_space<semaphore_mem>>
        %dma_start3A = arith.constant 0 : i32
        %dma_start3A_64 = arith.constant 0 : i32
        %dma_start3A_65 = tpu.memref_slice %arg9[%dma_start3A, %dma_start3A_64] : memref<128x128xf32, #tpu.memory_space<vmem>> -> memref<16x128xf32, #tpu.memory_space<vmem>>
        %dma_start3A_66 = arith.constant 9984 : i32
        %dma_start3A_67 = arith.constant 0 : i32
        %dma_start3A_68 = tpu.memref_slice %arg7[%arg0, %dma_start3A_66, %dma_start3A_67] : memref<2x10000x128xf32, #tpu.memory_space<hbm>> -> memref<1x16x128xf32, #tpu.memory_space<hbm>>
        %dma_start3A_69 = tpu.memref_squeeze %dma_start3A_68 : memref<1x16x128xf32, #tpu.memory_space<hbm>> -> memref<16x128xf32, #tpu.memory_space<hbm>>
        %dma_start3A_70 = arith.constant 9984 : i32
        %dma_start3A_71 = arith.constant 0 : i32
        %dma_start3A_72 = tpu.memref_slice %arg7[%arg0, %dma_start3A_70, %dma_start3A_71] : memref<2x10000x128xf32, #tpu.memory_space<hbm>> -> memref<1x16x128xf32, #tpu.memory_space<hbm>>
        %dma_start3A_73 = tpu.memref_squeeze %dma_start3A_72 : memref<1x16x128xf32, #tpu.memory_space<hbm>> -> memref<16x128xf32, #tpu.memory_space<hbm>>
        %dma_start3A_74 = arith.constant 0 : i32
        %dma_start3A_75 = arith.constant 0 : i32
        %dma_start3A_76 = tpu.memref_slice %arg9[%dma_start3A_74, %dma_start3A_75] : memref<128x128xf32, #tpu.memory_space<vmem>> -> memref<16x128xf32, #tpu.memory_space<vmem>>
        tpu.enqueue_dma source(%dma_start3A_76 : memref<16x128xf32, #tpu.memory_space<vmem>>) target(%dma_start3A_73 : memref<16x128xf32, #tpu.memory_space<hbm>>) target_semaphore(%run_scoped3A : memref<!tpu.dma_semaphore, #tpu.memory_space<semaphore_mem>>)
        %dma_wait3A = arith.constant 0 : i32
        %dma_wait3A_77 = arith.constant 0 : i32
        %dma_wait3A_78 = tpu.memref_slice %arg9[%dma_wait3A, %dma_wait3A_77] : memref<128x128xf32, #tpu.memory_space<vmem>> -> memref<16x128xf32, #tpu.memory_space<vmem>>
        %dma_wait3A_79 = arith.constant 9984 : i32
        %dma_wait3A_80 = arith.constant 0 : i32
        %dma_wait3A_81 = tpu.memref_slice %arg7[%arg0, %dma_wait3A_79, %dma_wait3A_80] : memref<2x10000x128xf32, #tpu.memory_space<hbm>> -> memref<1x16x128xf32, #tpu.memory_space<hbm>>
        %dma_wait3A_82 = tpu.memref_squeeze %dma_wait3A_81 : memref<1x16x128xf32, #tpu.memory_space<hbm>> -> memref<16x128xf32, #tpu.memory_space<hbm>>
        %dma_wait3A_83 = arith.constant 9984 : i32
        %dma_wait3A_84 = arith.constant 0 : i32
        %dma_wait3A_85 = tpu.memref_slice %arg7[%arg0, %dma_wait3A_83, %dma_wait3A_84] : memref<2x10000x128xf32, #tpu.memory_space<hbm>> -> memref<1x16x128xf32, #tpu.memory_space<hbm>>
        %dma_wait3A_86 = tpu.memref_squeeze %dma_wait3A_85 : memref<1x16x128xf32, #tpu.memory_space<hbm>> -> memref<16x128xf32, #tpu.memory_space<hbm>>
        %dma_wait3A_87 = arith.constant 0 : i32
        %dma_wait3A_88 = arith.constant 0 : i32
        %dma_wait3A_89 = tpu.memref_slice %arg9[%dma_wait3A_87, %dma_wait3A_88] : memref<128x128xf32, #tpu.memory_space<vmem>> -> memref<16x128xf32, #tpu.memory_space<vmem>>
        tpu.wait_dma2 semaphore(%run_scoped3A : memref<!tpu.dma_semaphore, #tpu.memory_space<semaphore_mem>>) src(%dma_wait3A_89 : memref<16x128xf32, #tpu.memory_space<vmem>>) dst(%dma_wait3A_86 : memref<16x128xf32, #tpu.memory_space<hbm>>)
        tpu.yield
      }) : () -> ()
    } else {
    }
    %mul3A_60 = arith.constant 640 : i32
    %mul3A_61 = arith.muli %arg1, %mul3A_60 : i32
    "tpu.region"() ({
      %run_scoped3A = tpu.sem_alloc : memref<!tpu.dma_semaphore, #tpu.memory_space<semaphore_mem>>
      %dma_start3A = tpu.memref_slice %arg14[%mul3A_61] : memref<10240xf32, #tpu.memory_space<vmem_shared>> -> memref<640xf32, #tpu.memory_space<vmem_shared>>
      %dma_start3A_64 = tpu.memref_slice %arg14[%mul3A_61] : memref<10240xf32, #tpu.memory_space<vmem_shared>> -> memref<640xf32, #tpu.memory_space<vmem_shared>>
      tpu.enqueue_dma source(%dma_start3A_64 : memref<640xf32, #tpu.memory_space<vmem_shared>>) target(%arg12 : memref<640xf32, #tpu.memory_space<vmem>>) target_semaphore(%run_scoped3A : memref<!tpu.dma_semaphore, #tpu.memory_space<semaphore_mem>>)
      %dma_wait3A = tpu.memref_slice %arg14[%mul3A_61] : memref<10240xf32, #tpu.memory_space<vmem_shared>> -> memref<640xf32, #tpu.memory_space<vmem_shared>>
      %dma_wait3A_65 = tpu.memref_slice %arg14[%mul3A_61] : memref<10240xf32, #tpu.memory_space<vmem_shared>> -> memref<640xf32, #tpu.memory_space<vmem_shared>>
      tpu.wait_dma2 semaphore(%run_scoped3A : memref<!tpu.dma_semaphore, #tpu.memory_space<semaphore_mem>>) src(%dma_wait3A_65 : memref<640xf32, #tpu.memory_space<vmem_shared>>) dst(%arg12 : memref<640xf32, #tpu.memory_space<vmem>>)
      tpu.yield
    }) : () -> ()
    %mul3A_62 = arith.constant 640 : i32
    %mul3A_63 = arith.muli %arg1, %mul3A_62 : i32
    "tpu.region"() ({
      %run_scoped3A = tpu.sem_alloc : memref<!tpu.dma_semaphore, #tpu.memory_space<semaphore_mem>>
      %dma_start3A = tpu.memref_slice %arg8[%arg0, %mul3A_63] : memref<2x10240xf32, #tpu.memory_space<hbm>> -> memref<1x640xf32, #tpu.memory_space<hbm>>
      %dma_start3A_64 = tpu.memref_squeeze %dma_start3A : memref<1x640xf32, #tpu.memory_space<hbm>> -> memref<640xf32, #tpu.memory_space<hbm>>
      %dma_start3A_65 = tpu.memref_slice %arg8[%arg0, %mul3A_63] : memref<2x10240xf32, #tpu.memory_space<hbm>> -> memref<1x640xf32, #tpu.memory_space<hbm>>
      %dma_start3A_66 = tpu.memref_squeeze %dma_start3A_65 : memref<1x640xf32, #tpu.memory_space<hbm>> -> memref<640xf32, #tpu.memory_space<hbm>>
      tpu.enqueue_dma source(%arg12 : memref<640xf32, #tpu.memory_space<vmem>>) target(%dma_start3A_66 : memref<640xf32, #tpu.memory_space<hbm>>) target_semaphore(%run_scoped3A : memref<!tpu.dma_semaphore, #tpu.memory_space<semaphore_mem>>)
      %dma_wait3A = tpu.memref_slice %arg8[%arg0, %mul3A_63] : memref<2x10240xf32, #tpu.memory_space<hbm>> -> memref<1x640xf32, #tpu.memory_space<hbm>>
      %dma_wait3A_67 = tpu.memref_squeeze %dma_wait3A : memref<1x640xf32, #tpu.memory_space<hbm>> -> memref<640xf32, #tpu.memory_space<hbm>>
      %dma_wait3A_68 = tpu.memref_slice %arg8[%arg0, %mul3A_63] : memref<2x10240xf32, #tpu.memory_space<hbm>> -> memref<1x640xf32, #tpu.memory_space<hbm>>
      %dma_wait3A_69 = tpu.memref_squeeze %dma_wait3A_68 : memref<1x640xf32, #tpu.memory_space<hbm>> -> memref<640xf32, #tpu.memory_space<hbm>>
      tpu.wait_dma2 semaphore(%run_scoped3A : memref<!tpu.dma_semaphore, #tpu.memory_space<semaphore_mem>>) src(%arg12 : memref<640xf32, #tpu.memory_space<vmem>>) dst(%dma_wait3A_69 : memref<640xf32, #tpu.memory_space<hbm>>)
      tpu.yield
    }) : () -> ()
    return
  }
}

module attributes {stable_mosaic.version = 14 : i64} {
  func.func @body(%arg0: i32, %arg1: memref<2x1000x128xf32, #tpu.memory_space<vmem>>, %arg2: memref<2x1000x1xf32, #tpu.memory_space<vmem>>, %arg3: memref<1000x128xf32, #tpu.memory_space<vmem>>) attributes {dimension_semantics = [#tpu.dimension_semantics<arbitrary>], iteration_bounds = array<i64: 10>, scalar_prefetch = 0 : i64, scratch_operands = 0 : i64, tpu.core_type = #tpu.core_type<tc>, window_params = [{transform_indices = @transform_0, window_bounds = array<i64: 2, 1000, 128>}, {transform_indices = @transform_1, window_bounds = array<i64: 2, 1000, 1>}, {transform_indices = @transform_2, window_bounds = array<i64: 1000, 128>}]} {
    %get3A = arith.constant 0 : index
    %get3A_0 = arith.constant 0 : index
    %get3A_1 = arith.constant 0 : index
    %get3A_2 = vector.load %arg1[%get3A, %get3A_0, %get3A_1] : memref<2x1000x128xf32, #tpu.memory_space<vmem>>, vector<1x1000x128xf32>
    %get3A_3 = vector.shape_cast %get3A_2 : vector<1x1000x128xf32> to vector<1000x128xf32>
    %get3A_4 = arith.constant 1 : index
    %get3A_5 = arith.constant 0 : index
    %get3A_6 = arith.constant 0 : index
    %get3A_7 = vector.load %arg1[%get3A_4, %get3A_5, %get3A_6] : memref<2x1000x128xf32, #tpu.memory_space<vmem>>, vector<1x1000x128xf32>
    %get3A_8 = vector.shape_cast %get3A_7 : vector<1x1000x128xf32> to vector<1000x128xf32>
    %add3A = arith.addf %get3A_3, %get3A_8 : vector<1000x128xf32>
    %get3A_9 = arith.constant 0 : index
    %get3A_10 = arith.constant 0 : index
    %get3A_11 = arith.constant 0 : index
    %get3A_12 = vector.load %arg2[%get3A_9, %get3A_10, %get3A_11] : memref<2x1000x1xf32, #tpu.memory_space<vmem>>, vector<1x1000x1xf32>
    %get3A_13 = vector.shape_cast %get3A_12 : vector<1x1000x1xf32> to vector<1000xf32>
    %get3A_14 = arith.constant 1 : index
    %get3A_15 = arith.constant 0 : index
    %get3A_16 = arith.constant 0 : index
    %get3A_17 = vector.load %arg2[%get3A_14, %get3A_15, %get3A_16] : memref<2x1000x1xf32, #tpu.memory_space<vmem>>, vector<1x1000x1xf32>
    %get3A_18 = vector.shape_cast %get3A_17 : vector<1x1000x1xf32> to vector<1000xf32>
    %add3A_19 = arith.addf %get3A_13, %get3A_18 : vector<1000xf32>
    %max3A = arith.constant 1.000000e+00 : f32
    %max3A_20 = vector.broadcast %max3A : f32 to vector<1000xf32>
    %max3A_21 = arith.maximumf %add3A_19, %max3A_20 : vector<1000xf32>
    %broadcast_in_dim3A = vector.shape_cast %max3A_21 : vector<1000xf32> to vector<1000x1xf32>
    %div3A = vector.broadcast %broadcast_in_dim3A : vector<1000x1xf32> to vector<1000x128xf32>
    %div3A_22 = arith.divf %add3A, %div3A : vector<1000x128xf32>
    %swap3A = arith.constant 0 : index
    %swap3A_23 = arith.constant 0 : index
    %swap3A_24 = vector.load %arg3[%swap3A, %swap3A_23] : memref<1000x128xf32, #tpu.memory_space<vmem>>, vector<1000x128xf32>
    tpu.vector_store %arg3[%swap3A, %swap3A_23], %div3A_22 {strides = array<i32>} : memref<1000x128xf32, #tpu.memory_space<vmem>>, vector<1000x128xf32>,
    return
  }
  func.func @transform_0(%arg0: i32) -> (i32, i32, i32) {
    %c0_i32 = arith.constant 0 : i32
    %c0_i32_0 = arith.constant 0 : i32
    %c0_i32_1 = arith.constant 0 : i32
    return %c0_i32, %arg0, %c0_i32_0 : i32, i32, i32
  }
  func.func @transform_1(%arg0: i32) -> (i32, i32, i32) {
    %c0_i32 = arith.constant 0 : i32
    %c0_i32_0 = arith.constant 0 : i32
    %c0_i32_1 = arith.constant 0 : i32
    return %c0_i32, %arg0, %c0_i32_0 : i32, i32, i32
  }
  func.func @transform_2(%arg0: i32) -> (i32, i32) {
    %c0_i32 = arith.constant 0 : i32
    %c0_i32_0 = arith.constant 0 : i32
    return %arg0, %c0_i32 : i32, i32
  }
}

</mosaic_0001>

<sc_bundles>
// kernel: kernel.4.cloned.1.call-start
scs
__scs_entry_jumppad:
0x0: {  	(pc) =	sbr.rel $0x88, $3  }
0x1: {  	(tag) =	ssettag $0x0;
	lr =	simm.s32 $0x1  }
0x2: {  	[smem:$0x3F9F] =	sst lr;
	_ =	strace $0xD0000000  }
0x3: {  	_ = 	snop  }
0x4: {  	_ = 	snop  }
0x5: {  	_ = 	snop  }
0x6: {  	_ = 	snop  }
0x7: {  	_ = 	snop  }
__scs_overlays_trampoline_lowered:
0x8: {  	[smem:$0x3FAE] =	sst s0  }
0x9: {  	[smem:$0x3FAF] =	sst s1  }
0xa: {  	[smem:$0x3FB0] =	sst s2  }
0xb: {  	[smem:$0x3FB1] =	sst s3  }
0xc: {  	[smem:$0x3FB2] =	sst s4  }
0xd: {  	[smem:$0x3FB3] =	sst s5  }
0xe: {  	[smem:$0x3FB4] =	sst s6  }
0xf: {  	[smem:$0x3FB5] =	sst s7  }
0x10: {  	[smem:$0x3FB6] =	sst s8  }
0x11: {  	[smem:$0x3FB7] =	sst s9;
	s0 =	simm.s32 @!p0 $0x0  }
0x12: {  	s1 =	sld [smem:$0x3F9D];
	s0 =	simm.s32 @p0 $0x1  }
0x13: {  	[smem:$0x3FB8] =	sst s0;
	s0 =	simm.s32 @!p1 $0x0  }
0x14: {  	s2 =	sld [smem:$0x3F9C];
	s0 =	simm.s32 @p1 $0x1  }
0x15: {  	[smem:$0x3FB9] =	sst s0;
	s0 =	simm.s32 @!p2 $0x0  }
0x16: {  	s3 =	sld [smem:$0x3FDB];
	s0 =	simm.s32 @p2 $0x1  }
0x17: {  	s4 =	simm.s32 $0x1BF5;
	[smem:$0x3FBB] =	sst s0  }
0x18: {  	s0 =	sld [smem:$0x3F9E];
	_ =	swait.ge [sflag:s4], $0x0  }
0x19: {  	s7 =	sld [smem:$0x3F9F]  }
0x1a: {  	s8 =	sadd.s32 $0xFFFFE003, lr  }
0x1b: {  	s9 =	sadd.s32 $0xFFFFFEF7, lr;
	s5 =	simm.s32 $0xFFFFFFFF;
	p2 =	slt.u32 s8, $0xFFFFF086  }
0x1c: {  	p1 =	slt.u32 s9, $0xF7A;
	s5 =	simm.s32 @!p2 $0x0  }
0x1d: {  	s5 =	simm.s32 @p1 $0x1;
	p0 =	seq.s32 s7, s2  }
0x1e: {  	s7 =	smul.u32 @!p0 $0xF7A, s2;
	p2 =	seq.s32 @!p0 s5, $0x0  }
0x1f: {  	s9 =	smul.u32 $0xF7A, s1;
	s8 =	simm.s32 @!p0 $0x1BF5;
	p2 =	por !p2, p0  }
0x20: {  	[sflag:s8] =	ssyncset.s32 @!p0 $0xFFFFF086;
	s6 =	sadd.s32 @!p0 s3, s7;
	s7 =	simm.s32 @!p0 $0x108  }
0x21: {  	s3 =	sadd.s32 s3, s9;
	s6 =	sadd.s32 @!p0 $0x88, s6;
	s7 =	simm.s32 @p2 $0x1082  }
0x22: {  	[simem:s7], [sflag:s8] =	dma.local @!p0 [hbm:s6], $0xF7A  }
0x23: {  	s9 =	sor.u32 $0xD0000000, s2;
	s6 =	simm.s32 $0x108;
	_ =	swait.ge @!p0 [sflag:s8], $0x0  }
0x24: {  	s3 =	sadd.s32 $0x88, s3;
	s6 =	simm.s32 @!p1 $0x1082;
	[sflag:s4] =	ssyncset.s32 $0xFFFFF086  }
0x25: {  	[simem:s6], [sflag:s4] =	dma.local [hbm:s3], $0xF7A  }
0x26: {  	[smem:$0x3F9F] =	sst s1;
	(tag) =	ssettag s2;
	_ =	strace s9  }
0x27: {  	s1 =	sld [smem:$0x3FAF]  }
0x28: {  	s2 =	sld [smem:$0x3FB0]  }
0x29: {  	s4 =	sld [smem:$0x3FB2]  }
0x2a: {  	p0 =	seq.s32 s5, $0x0;
	s5 =	sld [smem:$0x3FB3]  }
0x2b: {  	s6 =	sld [smem:$0x3FB4]  }
0x2c: {  	s7 =	sld [smem:$0x3FB5]  }
0x2d: {  	s3 =	simm.s32 $0x108;
	s8 =	sld [smem:$0x3FB6]  }
0x2e: {  	s3 =	simm.s32 @!p0 $0x1082;
	s9 =	sld [smem:$0x3FB7]  }
0x2f: {  	lr =	sadd.s32 s0, s3;
	s0 =	sld [smem:$0x3FAE]  }
0x30: {  	s3 =	sld [smem:$0x3FB1]  }
0x31: {  	[smem:$0x3FBA] =	sst s10  }
0x32: {  	s10 =	sld [smem:$0x3FB8];
	_ =	sdelay $0x3  }
0x33: {  	p0 =	seq.s32 s10, $0x1;
	s10 =	sld [smem:$0x3FBA];
	_ =	sdelay $0x3  }
0x34: {  	[smem:$0x3FBA] =	sst s10  }
0x35: {  	s10 =	sld [smem:$0x3FB9];
	_ =	sdelay $0x3  }
0x36: {  	p1 =	seq.s32 s10, $0x1;
	s10 =	sld [smem:$0x3FBA];
	_ =	sdelay $0x3  }
0x37: {  	[smem:$0x3FBA] =	sst s10  }
0x38: {  	s10 =	sld [smem:$0x3FBB]  }
0x39: {  	_ = 	snop;
	(pc) =	sbr.ind lr, $3  }
0x3a: {  	_ = 	snop  }
0x3b: {  	_ = 	snop  }
0x3c: {  	p2 =	seq.s32 s10, $0x1;
	s10 =	sld [smem:$0x3FBA]  }
0x3d: {  	_ =	shalt  }
0x3e: {  	_ =	shalt  }
0x3f: {  	_ =	shalt  }
0x40: {  	_ =	shalt  }
0x41: {  	_ =	shalt  }
0x42: {  	_ =	shalt  }
0x43: {  	_ =	shalt  }
0x44: {  	_ =	shalt  }
0x45: {  	_ =	shalt  }
0x46: {  	_ =	shalt  }
0x47: {  	_ =	shalt  }
0x48: {  	_ =	shalt  }
0x49: {  	_ =	shalt  }
0x4a: {  	_ =	shalt  }
0x4b: {  	_ =	shalt  }
0x4c: {  	_ =	shalt  }
0x4d: {  	_ =	shalt  }
0x4e: {  	_ =	shalt  }
0x4f: {  	_ =	shalt  }
0x50: {  	_ =	shalt  }
0x51: {  	_ =	shalt  }
0x52: {  	_ =	shalt  }
0x53: {  	_ =	shalt  }
0x54: {  	_ =	shalt  }
0x55: {  	_ =	shalt  }
0x56: {  	_ =	shalt  }
0x57: {  	_ =	shalt  }
0x58: {  	_ =	shalt  }
0x59: {  	_ =	shalt  }
0x5a: {  	_ =	shalt  }
0x5b: {  	_ =	shalt  }
0x5c: {  	_ =	shalt  }
0x5d: {  	_ =	shalt  }
0x5e: {  	_ =	shalt  }
0x5f: {  	_ =	shalt  }
0x60: {  	_ =	shalt  }
0x61: {  	_ =	shalt  }
0x62: {  	_ =	shalt  }
0x63: {  	_ =	shalt  }
0x64: {  	_ =	shalt  }
0x65: {  	_ =	shalt  }
0x66: {  	_ =	shalt  }
0x67: {  	_ =	shalt  }
0x68: {  	_ =	shalt  }
0x69: {  	_ =	shalt  }
0x6a: {  	_ =	shalt  }
0x6b: {  	_ =	shalt  }
0x6c: {  	_ =	shalt  }
0x6d: {  	_ =	shalt  }
0x6e: {  	_ =	shalt  }
0x6f: {  	_ =	shalt  }
0x70: {  	_ =	shalt  }
0x71: {  	_ =	shalt  }
0x72: {  	_ =	shalt  }
0x73: {  	_ =	shalt  }
0x74: {  	_ =	shalt  }
0x75: {  	_ =	shalt  }
0x76: {  	_ =	shalt  }
0x77: {  	_ =	shalt  }
0x78: {  	_ =	shalt  }
0x79: {  	_ =	shalt  }
0x7a: {  	_ =	shalt  }
0x7b: {  	_ =	shalt  }
0x7c: {  	_ =	shalt  }
0x7d: {  	_ =	shalt  }
0x7e: {  	_ =	shalt  }
0x7f: {  	_ =	shalt  }
0x80: {  	_ =	shalt  }
0x81: {  	_ =	shalt  }
0x82: {  	_ =	shalt  }
0x83: {  	_ =	shalt  }
0x84: {  	_ =	shalt  }
0x85: {  	_ =	shalt  }
0x86: {  	_ =	shalt  }
0x87: {  	_ =	shalt  }
.Lfunc_end0:
.L_simem_size_0:
called_computation_lowered:
.L_overlay_start_0:
0x88: {  	s2 =	sld [smem:$0x3FD9]  }
0x89: {  	s3 =	sld [smem:$0x3FFE];
	_ =	sdelay $0x1  }
0x8a: {  	s1 =	srdreg.scid  }
0x8b: {  	s0 =	sand.u32 $0x1, s1  }
0x8c: {  	s17 =	sshll.u32 s0, $0xA;
	s2 =	sadd.s32 s3, s2  }
0x8d: {  	s2 =	sadd.s32 s2, s17  }
0x8e: {  	[smem:$0x3FC6] =	sst s2  }
0x8f: {  	_ = 	snop  }
0x90: {  	s2 =	sld [smem:$0x3FC9]  }
0x91: {  	s18 =	sld [smem:$0x3FD0];
	(tm) =	ssettm $0x1  }
0x92: {  	s4 =	sld [smem:$0x3FFB];
	_ =	sdelay $0x3  }
0x93: {  	_ =	strace s4  }
0x94: {  	s4 =	sld [smem:$0x3FFC];
	_ =	sdelay $0x3  }
0x95: {  	_ =	strace s4  }
0x96: {  	s4 =	sld [smem:$0x3FFD];
	_ =	sdelay $0x3  }
0x97: {  	_ =	strace s4  }
0x98: {  	_ =	strace $0x8FFFFFFF  }
0x99: {  	s19 =	sld [smem:$0x3FDB];
	_ =	sdelay $0x1  }
0x9a: {  	s5 =	simm.s32 $_scs_section_size  }
0x9b: {  	s6 =	simm.s32 $_size__tile_overlayer_lowered;
	s7 =	simm.s32 $_tile_overlayer_lowered  }
0x9c: {  	s22 =	simm.s32 $0x1BFF;
	s21 =	sshll.u32 s7, $0x1;
	s4 =	sadd.s32 s5, s19  }
0x9d: {  	s8 =	simm.s32 $0x0;
	s20 =	sshll.u32 s6, $0x1;
	s6 =	sadd.s32 s21, s4  }
0x9e: {  	[timem:s8], [sflag:s22] =	dma.local [hbm:s6], s20  }
0x9f: {  	_ =	swait.ge [sflag:s22], s20  }
0xa0: {  	s5 =	ssub.s32 $0x0, s20;
	[sflag:s22] =	ssyncset.done $0x0  }
0xa1: {  	[sflag:s22] =	ssyncadd.s32 s5;
	_ =	sdelay $0x1  }
0xa2: {  	s23 =	simm.s32 $0x1B8B  }
0xa3: {  	_ =	swait.ge [sflag:s23], $0x1  }
0xa4: {  	[sflag:s23] =	ssyncset.done $0x0  }
0xa5: {  	s25 =	simm.s32 $0x1B8E;
	s24 =	sld [smem:$0x3FFE];
	[sflag:s23] =	ssyncadd.s32 $0xFFFFFFFF  }
0xa6: {  	s26 =	simm.s32 $execute0_lowered;
	[smem:$0x3FD2] =	sst s25  }
0xa7: {  	s6 =	sshll.u32 s26, $0x1;
	_ =	strace $0x80000046;
	[dreg:$0x1] =	wrdreg $0xFFFFFFFF  }
0xa8: {  	s28 =	simm.s32 $_size_execute0_lowered;
	s4 =	sadd.s32 s4, s6;
	[dreg:$0x0] =	wrdreg $0x0  }
0xa9: {  	s6 =	sshll.u32 s28, $0x1;
	[dreg:$0x2] =	wrdreg s4  }
0xaa: {  	[dreg:$0x3] =	wrdreg s6  }
0xab: {  	[dreg:$0x4] =	wrdreg $0xC0  }
0xac: {  	_ =	task [dreg:s8], $0x5FFFF  }
0xad: {  	[dreg:$0x1] =	wrdreg $0xFFFFFFFF  }
0xae: {  	[dreg:$0x0] =	wrdreg $0x60  }
0xaf: {  	[dreg:$0x2] =	wrdreg s2  }
0xb0: {  	[dreg:$0x3] =	wrdreg s18  }
0xb1: {  	[dreg:$0x4] =	wrdreg s24  }
0xb2: {  	[dreg:$0x5] =	wrdreg $0x43800  }
0xb3: {  	[dreg:$0x6] =	wrdreg $0x17C000  }
0xb4: {  	[dreg:$0x7] =	wrdreg $0x9  }
0xb5: {  	_ =	task.clear_ibuf [dreg:s8], $0x8FFFF;
	_ =	strace $0x90000046  }
0xb6: {  	s29 =	simm.s32 $0x9;
	_ =	strace $0x80000048  }
0xb7: {  	_ =	swait.ge [sflag:s29], $0x1  }
0xb8: {  	[sflag:s29] =	ssyncadd.s32 $0xFFFFFFFF  }
0xb9: {  	_ =	strace $0x90000048  }
0xba: {  	_ =	sfence  }
0xbb: {  	s30 =	sld [smem:$0x0];
	_ =	sdelay $0x2  }
0xbc: {  	s31 =	sshll.u32 s1, $0xD;
	s1 =	sshrl.u32 s1, $0x2  }
0xbd: {  	s3 =	sand.u32 $0x4000, s31;
	s1 =	sadd.s32 s1, s30  }
0xbe: {  	s0 =	sor.u32 s3, s0;
	s1 =	sshll.u32 s1, $0x11  }
0xbf: {  	s0 =	sor.u32 s1, s0  }
0xc0: {  	s0 =	sadd.s32 $0x8F2B, s0  }
0xc1: {  	[sflag:s0] =	ssyncadd.remote.s32 $0x1  }
0xc2: {  	_ =	sfence.sel $0xFFFF  }
0xc3: {  	[dreg:$0x0] =	wrdreg $0xFFFFFFFF;
	(pc) =	sbr.abs _section_cstart, $3  }
0xc4: {  	[dreg:$0x1] =	wrdreg $0xFFFFFFFF  }
0xc5: {  	_ =	task.clear_ibuf [dreg:s8], $0x2FFFF;
	_ =	strace $0x9FFFFFFF  }
0xc6: {  	(tm) =	ssettm $0x7FFFFFFF  }
0xc7: {  	_ =	shalt  }
tec
execute0_lowered:
.L_overlay_start_1:
0x0: {  	(tag) =	ssettag $0x1  }
0x1: {  	s0 =	rddreg [dreg:$0x0]  }
0x2: {  	s17 =	rddreg [dreg:$0x1]  }
0x3: {  	s5 =	rddreg [dreg:$0x2]  }
0x4: {  	s1 =	rddreg [dreg:$0x3]  }
0x5: {  	s2 =	rddreg [dreg:$0x4];
	s3 =	simm.s32 $0x0;
	s6 =	srdreg.scid  }
0x6: {  	s4 =	stileid.u32;
	s28 =	simm.s32 $0x4100;
	s29 =	simm.s32 $0x4000  }
0x7: {  	s30 =	simm.s32 $0x80;
	[smem:$0x7FF] =	sst s3;
	s6 =	sand.u32 $0x1, s6  }
0x8: {  	s7 =	smul.u32 $0x500, s4;
	s9 =	sadd.s32 $0xE00, s5;
	s15 =	sadd.s32 $0xC00, s5  }
0x9: {  	s16 =	sadd.s32 $0xA00, s5;
	_ =	strace $0x80000047;
	[dreg:$0x6] =	wrdreg s9  }
0xa: {  	s10 =	sadd.s32 $0x2000, s5;
	s19 =	smul.u32 $0x4E000, s4;
	[dreg:$0x7] =	wrdreg s15  }
0xb: {  	s12 =	smul.u32 $0x13800, s4;
	s8 =	sshll.u32 s6, $0x7;
	[dreg:$0x8] =	wrdreg s16  }
0xc: {  	s18 =	ssub.s32 $0x2, s6;
	s11 =	sshll.u32 s6, $0x4;
	s15 =	smul.u32 $0x138800, s6  }
0xd: {  	s6 =	smul.u32 $0x4E0, s6;
	s7 =	sor.u32 s8, s7;
	s20 =	sshrl.u32 s18, $0x1  }
0xe: {  	s13 =	sor.u32 s4, s11;
	s21 =	sshrl.u32 s19, $0x2;
	s22 =	sadd.s32 $0x4000, s12  }
0xf: {  	s14 =	sadd.s32 $0x8000, s12;
	s16 =	sadd.s32 $0xC000, s12;
	s19 =	smul.u32 $0xA00, s4  }
0x10: {  	s7 =	sshrl.u32 s7, $0x3;
	s20 =	ssub.s32 s18, s20;
	s8 =	sadd.s32 s22, s1  }
0x11: {  	s9 =	sadd.s32 s14, s1;
	s18 =	sadd.s32 $0x10000, s12;
	s12 =	sadd.s32 s12, s15  }
0x12: {  	p0 =	slt.u32 s13, $0x4;
	s11 =	sadd.s32 s15, s22;
	s14 =	sadd.s32 s15, s14  }
0x13: {  	s23 =	sadd.s32 s15, s16;
	s13 =	smin.u32 s13, $0x4;
	s5 =	sadd.s32 s7, s5  }
0x14: {  	s7 =	sadd.s32 s21, s1;
	s12 =	sshrl.u32 s12, $0x3;
	s21 =	smul.u32 $0x4E, s4  }
0x15: {  	s11 =	sshrl.u32 s11, $0x3;
	s14 =	sshrl.u32 s14, $0x3;
	s24 =	sadd.s32 s15, s18  }
0x16: {  	s15 =	sshrl.u32 s15, $0x3;
	s26 =	sshrl.u32 s19, $0x2;
	s12 =	sadd.s32 s10, s12  }
0x17: {  	s11 =	sadd.s32 s10, s11;
	s22 =	sadd.s32 s10, s15;
	s15 =	sadd.s32 s16, s1  }
0x18: {  	s16 =	sadd.s32 s18, s1;
	s18 =	sadd.s32 $0x138000, s1;
	s19 =	sadd.s32 s26, s2  }
0x19: {  	s26 =	simm.s32 $0x4080;
	[dreg:$0x9] =	wrdreg s12;
	s12 =	sadd.s32 s10, s14  }
0x1a: {  	s6 =	sadd.s32 s21, s6;
	s14 =	sshrl.u32 s23, $0x3;
	s22 =	sadd.s32 $0x27000, s22  }
0x1b: {  	s23 =	sadd.s32 $0x1600, s5;
	s21 =	sadd.s32 s13, s6;
	s6 =	sshrl.u32 s24, $0x3  }
0x1c: {  	s13 =	sadd.s32 s10, s14;
	s24 =	smax.u32 s20, $0x1;
	s14 =	sadd.s32 s10, s6  }
0x1d: {  	s25 =	sshll.u32 s21, $0x4;
	s31 =	sshll.u32 s21, $0xB;
	s21 =	simm.s32 $0x4F  }
0x1e: {  	s6 =	sadd.s32 s25, s17;
	s10 =	sadd.s32 s31, s0;
	s21 =	simm.s32 @!p0 $0x4E  }
0x1f: {  	p0 =	sne.s32 s4, $0x0;
	s25 =	simm.s32 $0x1;
	s0 =	simm.s32 $0x0  }
.LBB2_1:
0x20: {  	s4 =	rddreg [dreg:$0x6]  }
0x21: {  	[tilespmem:s3], [sflag:$0x1] =	stream.linear.gather [hbm4b:s4+s3], $0x4000, $0x38;
	[tilespmem:$0x17E80] =	vst v63  }
0x22: {  	_ =	swait.ge [sflag:s25], $0x4000  }
0x23: {  	[sflag:s25] =	ssyncset.done $0x0  }
0x24: {  	s20 =	rddreg [dreg:$0x8];
	[sflag:s25] =	ssyncadd.s32 $0xFFFFC000  }
0x25: {  	[tilespmem:s26], [sflag:$0x1] =	stream.linear.gather [hbm4b:s20+s3], $0x80, $0x38;
	[tilespmem:$0x17E80] =	vst v63  }
0x26: {  	_ =	swait.ge [sflag:s25], $0x80  }
0x27: {  	[sflag:s25] =	ssyncset.done $0x0  }
0x28: {  	[sflag:s25] =	ssyncadd.s32 $0xFFFFFF80  }
0x29: {  	[spmem:s7] =	stream.linear.scatter [tilespmem:s3], [sflag:$0x1], $0x4000, $0x38;
	[tilespmem:$0x17E80] =	vst v63  }
0x2a: {  	_ =	swait.ge [sflag:s25], $0x4000  }
0x2b: {  	[sflag:s25] =	ssyncset.done $0x0  }
0x2c: {  	[sflag:s25] =	ssyncadd.s32 $0xFFFFC000  }
0x2d: {  	[spmem:s8] =	stream.linear.scatter [tilespmem:s3], [sflag:$0x1], $0x4000, $0x38;
	[tilespmem:$0x17E80] =	vst v63  }
0x2e: {  	_ =	swait.ge [sflag:s25], $0x4000  }
0x2f: {  	[sflag:s25] =	ssyncset.done $0x0  }
0x30: {  	[sflag:s25] =	ssyncadd.s32 $0xFFFFC000  }
0x31: {  	[spmem:s9] =	stream.linear.scatter [tilespmem:s3], [sflag:$0x1], $0x4000, $0x38;
	[tilespmem:$0x17E80] =	vst v63  }
0x32: {  	_ =	swait.ge [sflag:s25], $0x4000  }
0x33: {  	[sflag:s25] =	ssyncset.done $0x0  }
0x34: {  	[sflag:s25] =	ssyncadd.s32 $0xFFFFC000  }
0x35: {  	[spmem:s15] =	stream.linear.scatter [tilespmem:s3], [sflag:$0x1], $0x4000, $0x38;
	[tilespmem:$0x17E80] =	vst v63  }
0x36: {  	_ =	swait.ge [sflag:s25], $0x4000  }
0x37: {  	[sflag:s25] =	ssyncset.done $0x0  }
0x38: {  	[sflag:s25] =	ssyncadd.s32 $0xFFFFC000  }
0x39: {  	[spmem:s16] =	stream.linear.scatter [tilespmem:s3], [sflag:$0x1], $0x3800, $0x38;
	[tilespmem:$0x17E80] =	vst v63  }
0x3a: {  	_ =	swait.ge [sflag:s25], $0x3800  }
0x3b: {  	[sflag:s25] =	ssyncset.done $0x0  }
0x3c: {  	s31 =	simm.s32 @!p0 $0x1;
	s4 =	simm.s32 @!p0 $0x0;
	[sflag:s25] =	ssyncadd.s32 $0xFFFFC800  }
0x3d: {  	[spmem:s18] =	stream.linear.scatter @!p0 [tilespmem:s4], [sflag:$0x1], $0x800, $0x38;
	[tilespmem:$0x17E80] =	vst v63  }
0x3e: {  	_ =	swait.ge @!p0 [sflag:s31], $0x800  }
0x3f: {  	[sflag:s31] =	ssyncset.done @!p0 $0x0  }
0x40: {  	s5 =	rddreg [dreg:$0x7];
	[sflag:s31] =	ssyncadd.s32 @!p0 $0xFFFFF800  }
0x41: {  	[tilespmem:s28], [sflag:$0x1] =	stream.linear.gather [hbm4b:s5+s3], $0x280, $0x38;
	[tilespmem:$0x17E80] =	vst v63  }
0x42: {  	_ =	swait.ge [sflag:s25], $0x280  }
0x43: {  	[sflag:s25] =	ssyncset.done $0x0  }
0x44: {  	[sflag:s25] =	ssyncadd.s32 $0xFFFFFD80  }
0x45: {  	[spmem:s19] =	stream.linear.scatter [tilespmem:s28], [sflag:$0x1], $0x280, $0x38;
	[tilespmem:$0x17E80] =	vst v63  }
0x46: {  	_ =	swait.ge [sflag:s25], $0x280  }
0x47: {  	[sflag:s25] =	ssyncset.done $0x0  }
0x48: {  	[sflag:s25] =	ssyncadd.s32 $0xFFFFFD80  }
0x49: {  	[bflag:$0x0] =	sbarrier.arrive $0xFFFF  }
0x4a: {  	[tilespmem:s3], [sflag:$0x1] =	stream.linear.gather [hbm4b:s10+s3], $0x4000, $0x38;
	[tilespmem:$0x17E80] =	vst v63  }
0x4b: {  	_ =	swait.ge [sflag:s25], $0x4000  }
0x4c: {  	[sflag:s25] =	ssyncset.done $0x0  }
0x4d: {  	[sflag:s25] =	ssyncadd.s32 $0xFFFFC000  }
0x4e: {  	[tilespmem:s29], [sflag:$0x1] =	stream.linear.gather [hbm4b:s6+s3], $0x80, $0x38;
	[tilespmem:$0x17E80] =	vst v63  }
0x4f: {  	_ =	swait.ge [sflag:s25], $0x80  }
0x50: {  	[sflag:s25] =	ssyncset.done $0x0  }
0x51: {  	[sflag:s25] =	ssyncadd.s32 $0xFFFFFF80  }
0x52: {  	[spmem:s1] =	stream.indirect.scatter.add.f32 [tilespmem:s3], [sflag:$0x1], $0x80, s29, s30, $0xb8;
	[tilespmem:$0x17E80] =	vst v63  }
0x53: {  	p1 =	sne.s32 s21, $0x1;
	_ =	swait.ge [sflag:s25], $0x4000  }
.Ltmp0:
0x54: {  	[sflag:s25] =	ssyncset.done $0x0;
	(pc) =	sbr.rel @!p1 .LBB2_3-.Ltmp0, $4  }
0x55: {  	[sflag:s25] =	ssyncadd.s32 $0xFFFFC000  }
0x56: {  	[spmem:s2] =	stream.indirect.scatter.add.f32 [tilespmem:s26], [sflag:$0x1], $0x1, s29, s30, $0xb8;
	[tilespmem:$0x17E80] =	vst v63  }
0x57: {  	s17 =	smov.u32 s6;
	_ =	swait.ge [sflag:s25], $0x80  }
0x58: {  	s20 =	smov.u32 s10;
	s5 =	sadd.s32 $0xFFFFFFFF, s21;
	[sflag:s25] =	ssyncset.done $0x0  }
.LBB2_2:
0x59: {  	[sflag:s25] =	ssyncadd.s32 $0xFFFFFF80;
	s17 =	sadd.s32 $0x10, s17;
	s20 =	sadd.s32 $0x800, s20  }
0x5a: {  	[tilespmem:s3], [sflag:$0x1] =	stream.linear.gather [hbm4b:s20+s3], $0x4000, $0x38;
	[tilespmem:$0x17E80] =	vst v63  }
0x5b: {  	p1 =	sne.s32 s5, $0x1;
	s5 =	sadd.s32 $0xFFFFFFFF, s5;
	_ =	swait.ge [sflag:s25], $0x4000  }
0x5c: {  	[sflag:s25] =	ssyncset.done $0x0  }
0x5d: {  	[sflag:s25] =	ssyncadd.s32 $0xFFFFC000  }
0x5e: {  	[tilespmem:s29], [sflag:$0x1] =	stream.linear.gather [hbm4b:s17+s3], $0x80, $0x38;
	[tilespmem:$0x17E80] =	vst v63  }
0x5f: {  	_ =	swait.ge [sflag:s25], $0x80  }
0x60: {  	[sflag:s25] =	ssyncset.done $0x0  }
0x61: {  	[sflag:s25] =	ssyncadd.s32 $0xFFFFFF80  }
0x62: {  	[spmem:s1] =	stream.indirect.scatter.add.f32 [tilespmem:s3], [sflag:$0x1], $0x80, s29, s30, $0xb8;
	[tilespmem:$0x17E80] =	vst v63  }
0x63: {  	_ =	swait.ge [sflag:s25], $0x4000  }
.Ltmp1:
0x64: {  	[sflag:s25] =	ssyncset.done $0x0;
	(pc) =	sbr.rel @p1 .LBB2_2-.Ltmp1, $4  }
0x65: {  	[sflag:s25] =	ssyncadd.s32 $0xFFFFC000  }
0x66: {  	[spmem:s2] =	stream.indirect.scatter.add.f32 [tilespmem:s26], [sflag:$0x1], $0x1, s29, s30, $0xb8;
	[tilespmem:$0x17E80] =	vst v63  }
0x67: {  	_ =	swait.ge [sflag:s25], $0x80  }
0x68: {  	[sflag:s25] =	ssyncset.done $0x0  }
.LBB2_3:
0x69: {  	[sflag:s25] =	ssyncadd.s32 $0xFFFFFF80  }
0x6a: {  	[bflag:$0x0] =	sbarrier.arrive $0xFFFF  }
0x6b: {  	[tilespmem:s3], [sflag:$0x1] =	stream.linear.gather [spmem:s7], $0x4000, $0x38;
	[tilespmem:$0x17E80] =	vst v63  }
0x6c: {  	_ =	swait.ge [sflag:s25], $0x4000  }
0x6d: {  	[sflag:s25] =	ssyncset.done $0x0  }
0x6e: {  	s5 =	rddreg [dreg:$0x9];
	[sflag:s25] =	ssyncadd.s32 $0xFFFFC000  }
0x6f: {  	[hbm4b:s5+s3] =	stream.linear.scatter [tilespmem:s3], [sflag:$0x1], $0x4000, $0x38;
	[tilespmem:$0x17E80] =	vst v63  }
0x70: {  	_ =	swait.ge [sflag:s25], $0x4000  }
0x71: {  	[sflag:s25] =	ssyncset.done $0x0  }
0x72: {  	[sflag:s25] =	ssyncadd.s32 $0xFFFFC000  }
0x73: {  	[tilespmem:s3], [sflag:$0x1] =	stream.linear.gather [spmem:s8], $0x4000, $0x38;
	[tilespmem:$0x17E80] =	vst v63  }
0x74: {  	_ =	swait.ge [sflag:s25], $0x4000  }
0x75: {  	[sflag:s25] =	ssyncset.done $0x0  }
0x76: {  	[sflag:s25] =	ssyncadd.s32 $0xFFFFC000  }
0x77: {  	[hbm4b:s11+s3] =	stream.linear.scatter [tilespmem:s3], [sflag:$0x1], $0x4000, $0x38;
	[tilespmem:$0x17E80] =	vst v63  }
0x78: {  	_ =	swait.ge [sflag:s25], $0x4000  }
0x79: {  	[sflag:s25] =	ssyncset.done $0x0  }
0x7a: {  	[sflag:s25] =	ssyncadd.s32 $0xFFFFC000  }
0x7b: {  	[tilespmem:s3], [sflag:$0x1] =	stream.linear.gather [spmem:s9], $0x4000, $0x38;
	[tilespmem:$0x17E80] =	vst v63  }
0x7c: {  	_ =	swait.ge [sflag:s25], $0x4000  }
0x7d: {  	[sflag:s25] =	ssyncset.done $0x0  }
0x7e: {  	[sflag:s25] =	ssyncadd.s32 $0xFFFFC000  }
0x7f: {  	[hbm4b:s12+s3] =	stream.linear.scatter [tilespmem:s3], [sflag:$0x1], $0x4000, $0x38;
	[tilespmem:$0x17E80] =	vst v63  }
0x80: {  	_ =	swait.ge [sflag:s25], $0x4000  }
0x81: {  	[sflag:s25] =	ssyncset.done $0x0  }
0x82: {  	[sflag:s25] =	ssyncadd.s32 $0xFFFFC000  }
0x83: {  	[tilespmem:s3], [sflag:$0x1] =	stream.linear.gather [spmem:s15], $0x4000, $0x38;
	[tilespmem:$0x17E80] =	vst v63  }
0x84: {  	_ =	swait.ge [sflag:s25], $0x4000  }
0x85: {  	[sflag:s25] =	ssyncset.done $0x0  }
0x86: {  	[sflag:s25] =	ssyncadd.s32 $0xFFFFC000  }
0x87: {  	[hbm4b:s13+s3] =	stream.linear.scatter [tilespmem:s3], [sflag:$0x1], $0x4000, $0x38;
	[tilespmem:$0x17E80] =	vst v63  }
0x88: {  	_ =	swait.ge [sflag:s25], $0x4000  }
0x89: {  	[sflag:s25] =	ssyncset.done $0x0  }
0x8a: {  	[sflag:s25] =	ssyncadd.s32 $0xFFFFC000  }
0x8b: {  	[tilespmem:s3], [sflag:$0x1] =	stream.linear.gather [spmem:s16], $0x3800, $0x38;
	[tilespmem:$0x17E80] =	vst v63  }
0x8c: {  	_ =	swait.ge [sflag:s25], $0x3800  }
0x8d: {  	[sflag:s25] =	ssyncset.done $0x0  }
0x8e: {  	[sflag:s25] =	ssyncadd.s32 $0xFFFFC800  }
0x8f: {  	[hbm4b:s14+s3] =	stream.linear.scatter [tilespmem:s3], [sflag:$0x1], $0x3800, $0x38;
	[tilespmem:$0x17E80] =	vst v63  }
0x90: {  	_ =	swait.ge [sflag:s25], $0x3800  }
0x91: {  	[sflag:s25] =	ssyncset.done $0x0  }
0x92: {  	[sflag:s25] =	ssyncadd.s32 $0xFFFFC800  }
0x93: {  	[tilespmem:s4], [sflag:$0x1] =	stream.linear.gather @!p0 [spmem:s18], $0x800, $0x38;
	[tilespmem:$0x17E80] =	vst v63  }
0x94: {  	_ =	swait.ge @!p0 [sflag:s31], $0x800  }
0x95: {  	[sflag:s31] =	ssyncset.done @!p0 $0x0  }
0x96: {  	[sflag:s31] =	ssyncadd.s32 @!p0 $0xFFFFF800  }
0x97: {  	[hbm4b:s22+s4] =	stream.linear.scatter @!p0 [tilespmem:s4], [sflag:$0x1], $0x800, $0x38;
	[tilespmem:$0x17E80] =	vst v63  }
0x98: {  	_ =	swait.ge @!p0 [sflag:s31], $0x800  }
0x99: {  	[sflag:s31] =	ssyncset.done @!p0 $0x0  }
0x9a: {  	[sflag:s31] =	ssyncadd.s32 @!p0 $0xFFFFF800  }
0x9b: {  	[tilespmem:s28], [sflag:$0x1] =	stream.linear.gather [spmem:s19], $0x280, $0x38;
	[tilespmem:$0x17E80] =	vst v63  }
0x9c: {  	s0 =	sadd.s32 $0x1, s0;
	_ =	swait.ge [sflag:s25], $0x280  }
0x9d: {  	p1 =	sne.s32 s0, s24;
	[sflag:s25] =	ssyncset.done $0x0  }
.Ltmp2:
0x9e: {  	s31 =	simm.s32 $0x100;
	[sflag:s25] =	ssyncadd.s32 $0xFFFFFD80;
	(pc) =	sbr.rel @p1 .LBB2_1-.Ltmp2, $4  }
0x9f: {  	[hbm4b:s23+s30] =	stream.strided.scatter [tilespmem:s28], [sflag:$0x1], $0x280, s31, s30, $0x38;
	[tilespmem:$0x17E80] =	vst v63  }
0xa0: {  	_ =	swait.ge [sflag:s25], $0x280  }
0xa1: {  	[sflag:s25] =	ssyncset.done $0x0  }
0xa2: {  	[sflag:s25] =	ssyncadd.s32 $0xFFFFFD80  }
0xa3: {  	_ =	sfence.sel $0x180000  }
0xa4: {  	[bflag:$0x0] =	sbarrier.arrive $0xFFFF  }
0xa5: {  	_ =	strace $0x90000047  }
0xa6: {  	[bflag:$0x2] =	sbarrier.arrive $0xFFFF  }
0xa7: {  	s0 =	rddreg [dreg:$0x5]  }
0xa8: {  	s0 =	sadd.s32 @!p0 $0x100000, s0  }
0xa9: {  	[sflag:s0] =	ssyncadd.tile.s32 @!p0 $0x1;
	_ =	shalt  }
.Lfunc_end2:
_tile_overlayer_lowered:
.L_overlay_start_2:
0xaa: {  	(tag) =	ssettag $0x2  }
0xab: {  	s0 =	rddreg [dreg:$0x0];
	s2 =	stileid.u32  }
0xac: {  	s1 =	rddreg [dreg:$0x1];
	p0 =	sne.s32 s2, $0x0  }
0xad: {  	s3 =	rddreg [dreg:$0x2];
	[bflag:$0x3] =	sbarrier.arrive $0xFFFF;
	s2 =	simm.s32 @!p0 $0x1C01  }
0xae: {  	[timem:s3], [sflag:s2] =	dma.local @!p0 [hbm:s0], s1  }
0xaf: {  	s0 =	simm.s32 @!p0 $0x1  }
0xb0: {  	_ =	swait.ge @!p0 [sflag:s0], s1  }
0xb1: {  	s1 =	ssub.s32 @!p0 $0x0, s1;
	[sflag:s0] =	ssyncset.done @!p0 $0x0  }
0xb2: {  	[sflag:s0] =	ssyncadd.s32 @!p0 s1  }
0xb3: {  	[bflag:$0x3] =	sbarrier.arrive $0xFFFF  }
0xb4: {  	_ =	shalt  }

</sc_bundles>
